<compile_context>
chip_gen: v7x
topology: tpu7x:2x2x1
jax: 0.10.2.dev20260603
libtpu: 0.0.44.dev20260713+nightly
codegen_flags: <defaults>
</compile_context>

<pallas_src>
import functools

import numpy as np

import jax
import jax.numpy as jnp
from jax import lax
from jax.experimental import pallas as pl
from jax.experimental.pallas import tpu as pltpu
from jax.experimental.pallas import tpu_sc as plsc

N = 10000
E = 160000
D = 16
H = 128
DD = D * D

NC = 2
NS = 16
NW = NC * NS
EPW = E // NW
CH = 125
NCH = EPW // CH
NP = 10240
RPS = NP // NS
NPK = NP // 8
NK = N // 8

EB = 32000
GR = EB // 8
NB = E // EB
EK = E // 8

_MESH = plsc.VectorSubcoreMesh(core_axis_name="c", subcore_axis_name="s")
_SC_PARAMS = pltpu.CompilerParams(use_tc_tiling_on_sc=False)



def _fill_rows(ref, n, value):
    def body(i, carry):
        ref[i, :] = jnp.full((D,), value, jnp.float32)
        return carry
    lax.fori_loop(0, n, body, 0)


def _fire_drain(n, fire):
    def fire_body(j, carry):
        fire(j)
        return carry
    lax.fori_loop(0, n, fire_body, 0)

    def drain_body(j, carry):
        fire(0, wait=True)
        return carry
    lax.fori_loop(0, n, drain_body, 0)


@functools.partial(
    pl.kernel,
    out_type=jax.ShapeDtypeStruct((NC, NP, D), jnp.float32),
    scratch_types=[
        pltpu.VMEM((NCH, CH), jnp.int32),
        pltpu.VMEM((CH, D), jnp.float32),
        pltpu.VMEM((RPS, D), jnp.float32),
        pltpu.SemaphoreType.DMA,
        pltpu.VMEM_SHARED((NP, D), jnp.float32),
    ],
    mesh=_MESH,
    compiler_params=_SC_PARAMS,
)
def _sc_counts(dst_hbm, cnt_out, didx, obuf, zbuf, csem, cnt_sh):
    c = lax.axis_index("c")
    s = lax.axis_index("s")
    wid = s * NC + c
    pltpu.sync_copy(dst_hbm.at[pl.ds(wid * NCH, NCH)], didx)
    _fill_rows(obuf, CH, 1.0)
    _fill_rows(zbuf, RPS, 0.0)
    pltpu.sync_copy(zbuf, cnt_sh.at[pl.ds(s * RPS, RPS)])
    plsc.subcore_barrier()

    def cadd(j, wait=False):
        d = pltpu.make_async_copy(obuf, cnt_sh.at[didx.at[j]], csem)
        d.wait() if wait else d.start(add=True)
    _fire_drain(NCH, cadd)

    plsc.subcore_barrier()
    pltpu.sync_copy(cnt_sh.at[pl.ds(s * RPS, RPS)],
                    cnt_out.at[c].at[pl.ds(s * RPS, RPS)])


def _make_gather(ep):
    epw = ep // NW
    nch = epw // CH

    @functools.partial(
        pl.kernel,
        out_type=jax.ShapeDtypeStruct((ep, D), jnp.float32),
        scratch_types=[
            pltpu.VMEM((nch, CH), jnp.int32),
            pltpu.VMEM((epw, D), jnp.float32),
            pltpu.SemaphoreType.DMA,
        ],
        mesh=_MESH,
        compiler_params=_SC_PARAMS,
    )
    def gather(x_hbm, src_hbm, xs_out, sidx, rows, gsem):
        c = lax.axis_index("c")
        s = lax.axis_index("s")
        wid = s * NC + c
        pltpu.sync_copy(src_hbm.at[pl.ds(wid * nch, nch)], sidx)

        def gath(j, wait=False):
            d = pltpu.make_async_copy(x_hbm.at[sidx.at[j]],
                                      rows.at[pl.ds(j * CH, CH)], gsem)
            d.wait() if wait else d.start()
        _fire_drain(nch, gath)

        pltpu.sync_copy(rows, xs_out.at[pl.ds(wid * epw, epw)])
    return gather


def _make_scatter(ep):
    epw = ep // NW
    nch = epw // CH

    @functools.partial(
        pl.kernel,
        out_type=jax.ShapeDtypeStruct((NC, NP, D), jnp.float32),
        scratch_types=[
            pltpu.VMEM((nch, CH), jnp.int32),
            pltpu.VMEM((epw, D), jnp.float32),
            pltpu.VMEM((RPS, D), jnp.float32),
            pltpu.SemaphoreType.DMA,
            pltpu.VMEM_SHARED((NP, D), jnp.float32),
        ],
        mesh=_MESH,
        compiler_params=_SC_PARAMS,
    )
    def scatter(dst_hbm, msg_hbm, agg_out, didx, buf, zbuf, asem, agg_sh):
        c = lax.axis_index("c")
        s = lax.axis_index("s")
        wid = s * NC + c
        pltpu.sync_copy(dst_hbm.at[pl.ds(wid * nch, nch)], didx)
        pltpu.sync_copy(msg_hbm.at[pl.ds(wid * epw, epw)], buf)
        _fill_rows(zbuf, RPS, 0.0)
        pltpu.sync_copy(zbuf, agg_sh.at[pl.ds(s * RPS, RPS)])
        plsc.subcore_barrier()

        def sadd(j, wait=False):
            d = pltpu.make_async_copy(buf.at[pl.ds(j * CH, CH)],
                                      agg_sh.at[didx.at[j]], asem)
            d.wait() if wait else d.start(add=True)
        _fire_drain(nch, sadd)

        plsc.subcore_barrier()
        pltpu.sync_copy(agg_sh.at[pl.ds(s * RPS, RPS)],
                        agg_out.at[c].at[pl.ds(s * RPS, RPS)])
    return scatter


_GATHER_F = _make_gather(E)
_SCATTER_F = _make_scatter(E)



def _dense_body(e_ref, xs_ref, nodes_ref, gamma_ref, beta_ref, fold_ref,
                w1_ref, b1_ref, w2_ref, b2_ref, w3_ref, b3_ref,
                r_ref, s_ref, msg_ref, ac_s):
    @pl.when(pl.program_id(0) == 0)
    def _():
        nod = nodes_ref[...]
        ssum = jnp.dot(jnp.sum(nod, axis=0, keepdims=True), fold_ref[...],
                       preferred_element_type=jnp.float32)
        ssq = jnp.dot(jnp.sum(nod * nod, axis=0, keepdims=True), fold_ref[...],
                      preferred_element_type=jnp.float32)
        mu = ssum / float(N)
        var = ssq / float(N) - mu * mu
        a = gamma_ref[...] / jnp.sqrt(var + 1e-5)
        ac_s[...] = jnp.concatenate([a, beta_ref[...] - mu * a], axis=0)

    a = ac_s[0:1, :]
    c = ac_s[1:2, :]
    for g in range(8):
        ecol = e_ref[:, g:g + 1]
        h1 = jnp.maximum(ecol * w1_ref[...] + b1_ref[...], 0.0)
        h2 = jnp.maximum(
            jnp.dot(h1.astype(jnp.bfloat16), w2_ref[...],
                    preferred_element_type=jnp.float32) + b2_ref[...], 0.0)
        w = (jnp.dot(h2.astype(jnp.bfloat16), w3_ref[...],
                     preferred_element_type=jnp.float32) + b3_ref[...])
        xg = xs_ref[:, g * D:(g + 1) * D]
        xn = xg * a + c
        xr = jnp.dot(xn, r_ref[...], preferred_element_type=jnp.float32)
        msg_ref[:, g * D:(g + 1) * D] = jnp.dot(
            xr * w, s_ref[...], preferred_element_type=jnp.float32)


def _dense(nblk, boff, xoff, e_t, xs_p, nodes_p, gamma2, beta2, fold,
           w1, b1r, w2b, b2r, w3b, b3r, r, s):
    full = lambda shape: pl.BlockSpec(shape, lambda i: (0, 0))
    return pl.pallas_call(
        _dense_body,
        grid=(nblk,),
        in_specs=[
            pl.BlockSpec((GR, 8), lambda i: (i + boff, 0)),
            pl.BlockSpec((GR, 128), lambda i: (i + xoff, 0)),
            full((NPK, 128)), full((1, D)), full((1, D)), full((128, D)),
            full((1, H)), full((1, H)),
            full((H, H)), full((1, H)),
            full((H, DD)), full((1, DD)),
            full((D, DD)), full((DD, D)),
        ],
        out_specs=pl.BlockSpec((GR, 128), lambda i: (i, 0)),
        out_shape=jax.ShapeDtypeStruct((nblk * GR, 128), jnp.float32),
        scratch_shapes=[pltpu.VMEM((2, D), jnp.float32)],
    )(e_t, xs_p, nodes_p, gamma2, beta2, fold,
      w1, b1r, w2b, b2r, w3b, b3r, r, s)


def _update_body(aggp_ref, cntp_ref, bias_ref, hin_ref, hout_ref):
    agg = aggp_ref[0] + aggp_ref[1]
    cnt = cntp_ref[0] + cntp_ref[1]
    denom = jnp.maximum(cnt, 1.0)
    hnew = agg / denom + bias_ref[...] + hin_ref[...]
    rowid = lax.broadcasted_iota(jnp.int32, (NPK, 128), 0)
    hout_ref[...] = jnp.where(rowid < NK, hnew, 0.0)


def _update(aggp, cntp, biasp, hinp):
    return pl.pallas_call(
        _update_body,
        out_shape=jax.ShapeDtypeStruct((NPK, 128), jnp.float32),
    )(aggp, cntp, biasp, hinp)



_EYE = np.eye(D, dtype=np.float32)
_R = np.kron(_EYE, np.ones((1, D), np.float32))
_S = np.kron(np.ones((D, 1), np.float32), _EYE)
_FOLD = np.kron(np.ones((8, 1), np.float32), _EYE)
_PERM = np.arange(DD).reshape(D, D).T.reshape(DD)
_S2 = np.kron(_EYE, np.ones((D, 1), np.float32))


def kernel(h, e, edge_index, W1, b1, W2, b2, W3, b3, bias, gamma, beta):
    src2 = edge_index[1].reshape(NW * NCH, CH)
    dst2 = edge_index[0].reshape(NW * NCH, CH)
    e_t = e.reshape(EK, 8)
    hp = jnp.concatenate(
        [h.reshape(NK, 128),
         jnp.zeros((NPK - NK, 128), jnp.float32)], axis=0)
    b1r = b1.reshape(1, H)
    b2r = b2.reshape(1, H)
    b3r = b3.reshape(1, DD)
    biasp = jnp.tile(bias, 8).reshape(1, 128)
    gamma2 = gamma.reshape(1, D)
    beta2 = beta.reshape(1, D)
    w2b = W2.astype(jnp.bfloat16)
    w3b = W3.astype(jnp.bfloat16)
    r = jnp.asarray(_R)
    s = jnp.asarray(_S)
    fold = jnp.asarray(_FOLD)

    consts = (gamma2, beta2, fold, W1, b1r, w2b, b2r, w3b, b3r, r, s)
    hx = hp.reshape(NP, D)
    cntk = lambda x: x.reshape(NC, NPK, 128)

    xs1 = _GATHER_F(hx, src2)
    cntp = _sc_counts(dst2)
    msg1 = _dense(NB, 0, 0, e_t, xs1.reshape(EK, 128), hp, *consts)
    agg1 = _SCATTER_F(dst2, msg1.reshape(E, D))
    h2p = _update(cntk(agg1), cntk(cntp), biasp, hp)
    xs2 = _GATHER_F(h2p.reshape(NP, D), src2)
    msg2 = _dense(NB, 0, 0, e_t, xs2.reshape(EK, 128), h2p, *consts)
    agg2 = _SCATTER_F(dst2, msg2.reshape(E, D))
    h3p = _update(cntk(agg2), cntk(cntp), biasp, h2p)
    return h3p[:NK].reshape(N, D)

# --- scband reference (transcript-rebuilt; emitter-appended) ---
"""Pipeline reference for scband-encoder-49357764166050 (READ-ONLY COPY).

The authoritative reference and input builder live on the scoring server;
editing this copy changes nothing except your own understanding.
"""

import jax, jax.numpy as jnp
import numpy as np

N = 10000
E = 160000
D = 16
H = 128


def setup_inputs(seed: int = 0):
    key = jax.random.key(seed)
    ks = jax.random.split(key, 8)
    h = jax.random.normal(ks[0], (N, D), dtype=jnp.float32)
    e = jax.random.uniform(ks[1], (E, 1), dtype=jnp.float32)
    edge_index = jax.random.randint(ks[2], (2, E), 0, N, dtype=jnp.int32)
    s = 0.1
    W1 = jax.random.normal(ks[3], (1, H), dtype=jnp.float32) * s
    b1 = jnp.zeros((H,), dtype=jnp.float32)
    W2 = jax.random.normal(ks[4], (H, H), dtype=jnp.float32) * (s / np.sqrt(H))
    b2 = jnp.zeros((H,), dtype=jnp.float32)
    W3 = jax.random.normal(ks[5], (H, D * D), dtype=jnp.float32) * (s / np.sqrt(H))
    b3 = jnp.zeros((D * D,), dtype=jnp.float32)
    bias = jnp.zeros((D,), dtype=jnp.float32)
    gamma = jnp.ones((D,), dtype=jnp.float32)
    beta = jnp.zeros((D,), dtype=jnp.float32)
    return {"h": h, "e": e, "edge_index": edge_index, "W1": W1, "b1": b1,
            "W2": W2, "b2": b2, "W3": W3, "b3": b3, "bias": bias,
            "gamma": gamma, "beta": beta}


def _batch_norm(x, gamma, beta, eps=1e-5):
    mu = jnp.mean(x, axis=0, keepdims=True)
    var = jnp.mean((x - mu) ** 2, axis=0, keepdims=True)
    return (x - mu) / jnp.sqrt(var + eps) * gamma + beta


def _edge_mlp(e, W1, b1, W2, b2, W3, b3):
    w = jax.nn.relu(e @ W1 + b1)
    w = jax.nn.relu(w @ W2 + b2)
    return w @ W3 + b3


def reference(h, e, edge_index, W1, b1, W2, b2, W3, b3, bias, gamma, beta):
    # dgl.graph((neigh_idx, center_idx)): messages flow neighbor -> center
    src = edge_index[1]
    dst = edge_index[0]
    # edge_func is a single shared NNConv network across both conv layers
    w = _edge_mlp(e, W1, b1, W2, b2, W3, b3).reshape(E, D, D)
    counts = jax.ops.segment_sum(jnp.ones((E,), jnp.float32), dst, num_segments=N)
    denom = jnp.clip(counts, 1.0, None)[:, None]

    def nnconv(x):
        msg = jnp.einsum('ei,eio->eo', x[src], w)
        agg = jax.ops.segment_sum(msg, dst, num_segments=N) / denom
        return agg + bias

    for _ in range(2):
        h = nnconv(_batch_norm(h, gamma, beta)) + h
    return h

if __name__ == "__main__":
    import jax
    _d = setup_inputs()
    print(jax.jit(kernel)(*tuple(_d.values())))

</pallas_src>

<mosaic_0001>
#map = affine_map<(d0, d1) -> (0, 0)>
module attributes {stable_mosaic.version = 14 : i64} {
  func.func @gather(%arg0: i32, %arg1: i32, %arg2: memref<10240x16xf32, #tpu.memory_space<hbm>>, %arg3: memref<1280x125xi32, #tpu.memory_space<hbm>>, %arg4: memref<160000x16xf32, #tpu.memory_space<hbm>>, %arg5: memref<40x125xi32, #tpu.memory_space<vmem>>, %arg6: memref<5000x16xf32, #tpu.memory_space<vmem>>, %arg7: memref<!tpu.dma_semaphore, #tpu.memory_space<semaphore_mem>>) attributes {dimension_semantics = [#tpu.dimension_semantics<core_parallel>, #tpu.dimension_semantics<subcore_parallel>], iteration_bounds = array<i64: 2, 16>, scalar_prefetch = 0 : i64, scratch_operands = 3 : i64, tpu.core_type = #tpu.core_type<sc_vector_subcore>, window_params = [{transform_indices = #map}, {transform_indices = #map}, {transform_indices = #map}]} {
    %mul3A = arith.constant 2 : i32
    %mul3A_0 = arith.muli %arg1, %mul3A : i32
    %add3A = arith.addi %mul3A_0, %arg0 : i32
    %mul3A_1 = arith.constant 40 : i32
    %mul3A_2 = arith.muli %add3A, %mul3A_1 : i32
    "tpu.region"() ({
      %run_scoped3A = tpu.sem_alloc : memref<!tpu.dma_semaphore, #tpu.memory_space<semaphore_mem>>
      %dma_start3A = arith.constant 0 : i32
      %dma_start3A_16 = tpu.memref_slice %arg3[%mul3A_2, %dma_start3A] : memref<1280x125xi32, #tpu.memory_space<hbm>> -> memref<40x125xi32, #tpu.memory_space<hbm>>
      %dma_start3A_17 = arith.constant 0 : i32
      %dma_start3A_18 = tpu.memref_slice %arg3[%mul3A_2, %dma_start3A_17] : memref<1280x125xi32, #tpu.memory_space<hbm>> -> memref<40x125xi32, #tpu.memory_space<hbm>>
      tpu.enqueue_dma source(%dma_start3A_18 : memref<40x125xi32, #tpu.memory_space<hbm>>) target(%arg5 : memref<40x125xi32, #tpu.memory_space<vmem>>) target_semaphore(%run_scoped3A : memref<!tpu.dma_semaphore, #tpu.memory_space<semaphore_mem>>)
      %dma_wait3A = arith.constant 0 : i32
      %dma_wait3A_19 = tpu.memref_slice %arg3[%mul3A_2, %dma_wait3A] : memref<1280x125xi32, #tpu.memory_space<hbm>> -> memref<40x125xi32, #tpu.memory_space<hbm>>
      %dma_wait3A_20 = arith.constant 0 : i32
      %dma_wait3A_21 = tpu.memref_slice %arg3[%mul3A_2, %dma_wait3A_20] : memref<1280x125xi32, #tpu.memory_space<hbm>> -> memref<40x125xi32, #tpu.memory_space<hbm>>
      tpu.wait_dma2 semaphore(%run_scoped3A : memref<!tpu.dma_semaphore, #tpu.memory_space<semaphore_mem>>) src(%dma_wait3A_21 : memref<40x125xi32, #tpu.memory_space<hbm>>) dst(%arg5 : memref<40x125xi32, #tpu.memory_space<vmem>>)
      tpu.yield
    }) : () -> ()
    %scan3A = arith.constant 0 : i32
    %scan3A_3 = arith.constant 0 : i32
    %scan3A_4 = arith.constant 40 : i32
    %scan3A_5 = arith.addi %scan3A_3, %scan3A_4 : i32
    %scan3A_6 = arith.constant 1 : i32
    scf.for %scan3A_16 = %scan3A_3 to %scan3A_5 step %scan3A_6  : i32 {
      %mul3A_17 = arith.constant 125 : i32
      %mul3A_18 = arith.muli %scan3A_16, %mul3A_17 : i32
      %dma_start3A = arith.constant 0 : i32
      %dma_start3A_19 = tpu.memref_slice %arg6[%mul3A_18, %dma_start3A] : memref<5000x16xf32, #tpu.memory_space<vmem>> -> memref<125x16xf32, #tpu.memory_space<vmem>>
      %dma_start3A_20 = arith.constant 0 : i32
      %dma_start3A_21 = tpu.memref_slice %arg5[%scan3A_16, %dma_start3A_20] : memref<40x125xi32, #tpu.memory_space<vmem>> -> memref<1x125xi32, #tpu.memory_space<vmem>>
      %dma_start3A_22 = tpu.memref_squeeze %dma_start3A_21 : memref<1x125xi32, #tpu.memory_space<vmem>> -> memref<125xi32, #tpu.memory_space<vmem>>
      %dma_start3A_23 = arith.constant 0 : i32
      %dma_start3A_24 = arith.constant 0 : i32
      %dma_start3A_25 = tpu.memref_slice %arg2[%dma_start3A_23, %dma_start3A_24] : memref<10240x16xf32, #tpu.memory_space<hbm>> -> memref<10240x16xf32, #tpu.memory_space<hbm>>
      tpu.enqueue_indirect_dma source(%dma_start3A_25 : memref<10240x16xf32, #tpu.memory_space<hbm>>) target(%dma_start3A_19 : memref<125x16xf32, #tpu.memory_space<vmem>>) offsets(%dma_start3A_22 : memref<125xi32, #tpu.memory_space<vmem>>) semaphore(%arg7 : memref<!tpu.dma_semaphore, #tpu.memory_space<semaphore_mem>>)
    }
    %scan3A_7 = arith.constant 40 : i32
    %scan3A_8 = arith.constant 0 : i32
    %scan3A_9 = arith.constant 0 : i32
    %scan3A_10 = arith.constant 40 : i32
    %scan3A_11 = arith.addi %scan3A_9, %scan3A_10 : i32
    %scan3A_12 = arith.constant 1 : i32
    scf.for %scan3A_16 = %scan3A_9 to %scan3A_11 step %scan3A_12  : i32 {
      %dma_wait3A = arith.constant 0 : i32
      %dma_wait3A_17 = arith.constant 0 : i32
      %dma_wait3A_18 = arith.constant 0 : i32
      %dma_wait3A_19 = tpu.memref_slice %arg6[%dma_wait3A_17, %dma_wait3A_18] : memref<5000x16xf32, #tpu.memory_space<vmem>> -> memref<125x16xf32, #tpu.memory_space<vmem>>
      %dma_wait3A_20 = arith.constant 0 : i32
      %dma_wait3A_21 = tpu.memref_slice %arg5[%dma_wait3A, %dma_wait3A_20] : memref<40x125xi32, #tpu.memory_space<vmem>> -> memref<1x125xi32, #tpu.memory_space<vmem>>
      %dma_wait3A_22 = tpu.memref_squeeze %dma_wait3A_21 : memref<1x125xi32, #tpu.memory_space<vmem>> -> memref<125xi32, #tpu.memory_space<vmem>>
      %dma_wait3A_23 = arith.constant 0 : i32
      %dma_wait3A_24 = arith.constant 0 : i32
      %dma_wait3A_25 = tpu.memref_slice %arg2[%dma_wait3A_23, %dma_wait3A_24] : memref<10240x16xf32, #tpu.memory_space<hbm>> -> memref<10240x16xf32, #tpu.memory_space<hbm>>
      tpu.wait_indirect_dma semaphore(%arg7 : memref<!tpu.dma_semaphore, #tpu.memory_space<semaphore_mem>>) src(%dma_wait3A_25 : memref<10240x16xf32, #tpu.memory_space<hbm>>) dst(%dma_wait3A_19 : memref<125x16xf32, #tpu.memory_space<vmem>>)
    }
    %scan3A_13 = arith.constant 40 : i32
    %mul3A_14 = arith.constant 5000 : i32
    %mul3A_15 = arith.muli %add3A, %mul3A_14 : i32
    "tpu.region"() ({
      %run_scoped3A = tpu.sem_alloc : memref<!tpu.dma_semaphore, #tpu.memory_space<semaphore_mem>>
      %dma_start3A = arith.constant 0 : i32
      %dma_start3A_16 = tpu.memref_slice %arg4[%mul3A_15, %dma_start3A] : memref<160000x16xf32, #tpu.memory_space<hbm>> -> memref<5000x16xf32, #tpu.memory_space<hbm>>
      %dma_start3A_17 = arith.constant 0 : i32
      %dma_start3A_18 = tpu.memref_slice %arg4[%mul3A_15, %dma_start3A_17] : memref<160000x16xf32, #tpu.memory_space<hbm>> -> memref<5000x16xf32, #tpu.memory_space<hbm>>
      tpu.enqueue_dma source(%arg6 : memref<5000x16xf32, #tpu.memory_space<vmem>>) target(%dma_start3A_18 : memref<5000x16xf32, #tpu.memory_space<hbm>>) target_semaphore(%run_scoped3A : memref<!tpu.dma_semaphore, #tpu.memory_space<semaphore_mem>>)
      %dma_wait3A = arith.constant 0 : i32
      %dma_wait3A_19 = tpu.memref_slice %arg4[%mul3A_15, %dma_wait3A] : memref<160000x16xf32, #tpu.memory_space<hbm>> -> memref<5000x16xf32, #tpu.memory_space<hbm>>
      %dma_wait3A_20 = arith.constant 0 : i32
      %dma_wait3A_21 = tpu.memref_slice %arg4[%mul3A_15, %dma_wait3A_20] : memref<160000x16xf32, #tpu.memory_space<hbm>> -> memref<5000x16xf32, #tpu.memory_space<hbm>>
      tpu.wait_dma2 semaphore(%run_scoped3A : memref<!tpu.dma_semaphore, #tpu.memory_space<semaphore_mem>>) src(%arg6 : memref<5000x16xf32, #tpu.memory_space<vmem>>) dst(%dma_wait3A_21 : memref<5000x16xf32, #tpu.memory_space<hbm>>)
      tpu.yield
    }) : () -> ()
    return
  }
}

#map = affine_map<(d0, d1) -> (0, 0)>
#map1 = affine_map<(d0, d1) -> (0, 0, 0)>
module attributes {stable_mosaic.version = 14 : i64} {
  func.func @_sc_counts(%arg0: i32, %arg1: i32, %arg2: memref<1280x125xi32, #tpu.memory_space<hbm>>, %arg3: memref<2x10240x16xf32, #tpu.memory_space<hbm>>, %arg4: memref<40x125xi32, #tpu.memory_space<vmem>>, %arg5: memref<125x16xf32, #tpu.memory_space<vmem>>, %arg6: memref<640x16xf32, #tpu.memory_space<vmem>>, %arg7: memref<!tpu.dma_semaphore, #tpu.memory_space<semaphore_mem>>, %arg8: memref<10240x16xf32, #tpu.memory_space<vmem_shared>>) attributes {dimension_semantics = [#tpu.dimension_semantics<core_parallel>, #tpu.dimension_semantics<subcore_parallel>], iteration_bounds = array<i64: 2, 16>, scalar_prefetch = 0 : i64, scratch_operands = 5 : i64, tpu.core_type = #tpu.core_type<sc_vector_subcore>, window_params = [{transform_indices = #map}, {transform_indices = #map1}]} {
    %mul3A = arith.constant 2 : i32
    %mul3A_0 = arith.muli %arg1, %mul3A : i32
    %add3A = arith.addi %mul3A_0, %arg0 : i32
    %mul3A_1 = arith.constant 40 : i32
    %mul3A_2 = arith.muli %add3A, %mul3A_1 : i32
    "tpu.region"() ({
      %run_scoped3A = tpu.sem_alloc : memref<!tpu.dma_semaphore, #tpu.memory_space<semaphore_mem>>
      %dma_start3A = arith.constant 0 : i32
      %dma_start3A_33 = tpu.memref_slice %arg2[%mul3A_2, %dma_start3A] : memref<1280x125xi32, #tpu.memory_space<hbm>> -> memref<40x125xi32, #tpu.memory_space<hbm>>
      %dma_start3A_34 = arith.constant 0 : i32
      %dma_start3A_35 = tpu.memref_slice %arg2[%mul3A_2, %dma_start3A_34] : memref<1280x125xi32, #tpu.memory_space<hbm>> -> memref<40x125xi32, #tpu.memory_space<hbm>>
      tpu.enqueue_dma source(%dma_start3A_35 : memref<40x125xi32, #tpu.memory_space<hbm>>) target(%arg4 : memref<40x125xi32, #tpu.memory_space<vmem>>) target_semaphore(%run_scoped3A : memref<!tpu.dma_semaphore, #tpu.memory_space<semaphore_mem>>)
      %dma_wait3A = arith.constant 0 : i32
      %dma_wait3A_36 = tpu.memref_slice %arg2[%mul3A_2, %dma_wait3A] : memref<1280x125xi32, #tpu.memory_space<hbm>> -> memref<40x125xi32, #tpu.memory_space<hbm>>
      %dma_wait3A_37 = arith.constant 0 : i32
      %dma_wait3A_38 = tpu.memref_slice %arg2[%mul3A_2, %dma_wait3A_37] : memref<1280x125xi32, #tpu.memory_space<hbm>> -> memref<40x125xi32, #tpu.memory_space<hbm>>
      tpu.wait_dma2 semaphore(%run_scoped3A : memref<!tpu.dma_semaphore, #tpu.memory_space<semaphore_mem>>) src(%dma_wait3A_38 : memref<40x125xi32, #tpu.memory_space<hbm>>) dst(%arg4 : memref<40x125xi32, #tpu.memory_space<vmem>>)
      tpu.yield
    }) : () -> ()
    %scan3A = arith.constant 0 : i32
    %scan3A_3 = arith.constant 0 : i32
    %scan3A_4 = arith.constant 125 : i32
    %scan3A_5 = arith.addi %scan3A_3, %scan3A_4 : i32
    %scan3A_6 = arith.constant 1 : i32
    scf.for %scan3A_33 = %scan3A_3 to %scan3A_5 step %scan3A_6  : i32 {
      %broadcast_in_dim3A = arith.constant 1.000000e+00 : f32
      %broadcast_in_dim3A_34 = vector.broadcast %broadcast_in_dim3A : f32 to vector<16xf32>
      %swap3A = arith.index_cast %scan3A_33 : i32 to index
      %swap3A_35 = arith.constant 0 : index
      %swap3A_36 = tpu.vector_load %arg5[%swap3A, %swap3A_35] {strides = array<i32>} : memref<125x16xf32, #tpu.memory_space<vmem>>, vector<1x16xf32>,
      %swap3A_37 = vector.shape_cast %swap3A_36 : vector<1x16xf32> to vector<16xf32>
      %swap3A_38 = vector.shape_cast %broadcast_in_dim3A_34 : vector<16xf32> to vector<1x16xf32>
      tpu.vector_store %arg5[%swap3A, %swap3A_35], %swap3A_38 {strides = array<i32>} : memref<125x16xf32, #tpu.memory_space<vmem>>, vector<1x16xf32>,
    }
    %scan3A_7 = arith.constant 125 : i32
    %scan3A_8 = arith.constant 0 : i32
    %scan3A_9 = arith.constant 0 : i32
    %scan3A_10 = arith.constant 640 : i32
    %scan3A_11 = arith.addi %scan3A_9, %scan3A_10 : i32
    %scan3A_12 = arith.constant 1 : i32
    scf.for %scan3A_33 = %scan3A_9 to %scan3A_11 step %scan3A_12  : i32 {
      %broadcast_in_dim3A = arith.constant 0.000000e+00 : f32
      %broadcast_in_dim3A_34 = vector.broadcast %broadcast_in_dim3A : f32 to vector<16xf32>
      %swap3A = arith.index_cast %scan3A_33 : i32 to index
      %swap3A_35 = arith.constant 0 : index
      %swap3A_36 = tpu.vector_load %arg6[%swap3A, %swap3A_35] {strides = array<i32>} : memref<640x16xf32, #tpu.memory_space<vmem>>, vector<1x16xf32>,
      %swap3A_37 = vector.shape_cast %swap3A_36 : vector<1x16xf32> to vector<16xf32>
      %swap3A_38 = vector.shape_cast %broadcast_in_dim3A_34 : vector<16xf32> to vector<1x16xf32>
      tpu.vector_store %arg6[%swap3A, %swap3A_35], %swap3A_38 {strides = array<i32>} : memref<640x16xf32, #tpu.memory_space<vmem>>, vector<1x16xf32>,
    }
    %scan3A_13 = arith.constant 640 : i32
    %mul3A_14 = arith.constant 640 : i32
    %mul3A_15 = arith.muli %arg1, %mul3A_14 : i32
    "tpu.region"() ({
      %run_scoped3A = tpu.sem_alloc : memref<!tpu.dma_semaphore, #tpu.memory_space<semaphore_mem>>
      %dma_start3A = arith.constant 0 : i32
      %dma_start3A_33 = tpu.memref_slice %arg8[%mul3A_15, %dma_start3A] : memref<10240x16xf32, #tpu.memory_space<vmem_shared>> -> memref<640x16xf32, #tpu.memory_space<vmem_shared>>
      %dma_start3A_34 = arith.constant 0 : i32
      %dma_start3A_35 = tpu.memref_slice %arg8[%mul3A_15, %dma_start3A_34] : memref<10240x16xf32, #tpu.memory_space<vmem_shared>> -> memref<640x16xf32, #tpu.memory_space<vmem_shared>>
      tpu.enqueue_dma source(%arg6 : memref<640x16xf32, #tpu.memory_space<vmem>>) target(%dma_start3A_35 : memref<640x16xf32, #tpu.memory_space<vmem_shared>>) target_semaphore(%run_scoped3A : memref<!tpu.dma_semaphore, #tpu.memory_space<semaphore_mem>>)
      %dma_wait3A = arith.constant 0 : i32
      %dma_wait3A_36 = tpu.memref_slice %arg8[%mul3A_15, %dma_wait3A] : memref<10240x16xf32, #tpu.memory_space<vmem_shared>> -> memref<640x16xf32, #tpu.memory_space<vmem_shared>>
      %dma_wait3A_37 = arith.constant 0 : i32
      %dma_wait3A_38 = tpu.memref_slice %arg8[%mul3A_15, %dma_wait3A_37] : memref<10240x16xf32, #tpu.memory_space<vmem_shared>> -> memref<640x16xf32, #tpu.memory_space<vmem_shared>>
      tpu.wait_dma2 semaphore(%run_scoped3A : memref<!tpu.dma_semaphore, #tpu.memory_space<semaphore_mem>>) src(%arg6 : memref<640x16xf32, #tpu.memory_space<vmem>>) dst(%dma_wait3A_38 : memref<640x16xf32, #tpu.memory_space<vmem_shared>>)
      tpu.yield
    }) : () -> ()
    %barrier3A = arith.constant 0 : index
    tpu.barrier barrier_id(%barrier3A)
    %scan3A_16 = arith.constant 0 : i32
    %scan3A_17 = arith.constant 0 : i32
    %scan3A_18 = arith.constant 40 : i32
    %scan3A_19 = arith.addi %scan3A_17, %scan3A_18 : i32
    %scan3A_20 = arith.constant 1 : i32
    scf.for %scan3A_33 = %scan3A_17 to %scan3A_19 step %scan3A_20  : i32 {
      %dma_start3A = arith.constant 0 : i32
      %dma_start3A_34 = tpu.memref_slice %arg4[%scan3A_33, %dma_start3A] : memref<40x125xi32, #tpu.memory_space<vmem>> -> memref<1x125xi32, #tpu.memory_space<vmem>>
      %dma_start3A_35 = tpu.memref_squeeze %dma_start3A_34 : memref<1x125xi32, #tpu.memory_space<vmem>> -> memref<125xi32, #tpu.memory_space<vmem>>
      %dma_start3A_36 = arith.constant 0 : i32
      %dma_start3A_37 = arith.constant 0 : i32
      %dma_start3A_38 = tpu.memref_slice %arg8[%dma_start3A_36, %dma_start3A_37] : memref<10240x16xf32, #tpu.memory_space<vmem_shared>> -> memref<10240x16xf32, #tpu.memory_space<vmem_shared>>
      tpu.enqueue_indirect_dma source(%arg5 : memref<125x16xf32, #tpu.memory_space<vmem>>) target(%dma_start3A_38 : memref<10240x16xf32, #tpu.memory_space<vmem_shared>>) offsets(%dma_start3A_35 : memref<125xi32, #tpu.memory_space<vmem>>) semaphore(%arg7 : memref<!tpu.dma_semaphore, #tpu.memory_space<semaphore_mem>>) {add = true}
    }
    %scan3A_21 = arith.constant 40 : i32
    %scan3A_22 = arith.constant 0 : i32
    %scan3A_23 = arith.constant 0 : i32
    %scan3A_24 = arith.constant 40 : i32
    %scan3A_25 = arith.addi %scan3A_23, %scan3A_24 : i32
    %scan3A_26 = arith.constant 1 : i32
    scf.for %scan3A_33 = %scan3A_23 to %scan3A_25 step %scan3A_26  : i32 {
      %dma_wait3A = arith.constant 0 : i32
      %dma_wait3A_34 = arith.constant 0 : i32
      %dma_wait3A_35 = tpu.memref_slice %arg4[%dma_wait3A, %dma_wait3A_34] : memref<40x125xi32, #tpu.memory_space<vmem>> -> memref<1x125xi32, #tpu.memory_space<vmem>>
      %dma_wait3A_36 = tpu.memref_squeeze %dma_wait3A_35 : memref<1x125xi32, #tpu.memory_space<vmem>> -> memref<125xi32, #tpu.memory_space<vmem>>
      %dma_wait3A_37 = arith.constant 0 : i32
      %dma_wait3A_38 = arith.constant 0 : i32
      %dma_wait3A_39 = tpu.memref_slice %arg8[%dma_wait3A_37, %dma_wait3A_38] : memref<10240x16xf32, #tpu.memory_space<vmem_shared>> -> memref<10240x16xf32, #tpu.memory_space<vmem_shared>>
      tpu.wait_indirect_dma semaphore(%arg7 : memref<!tpu.dma_semaphore, #tpu.memory_space<semaphore_mem>>) src(%arg5 : memref<125x16xf32, #tpu.memory_space<vmem>>) dst(%dma_wait3A_39 : memref<10240x16xf32, #tpu.memory_space<vmem_shared>>)
    }
    %scan3A_27 = arith.constant 40 : i32
    %barrier3A_28 = arith.constant 0 : index
    tpu.barrier barrier_id(%barrier3A_28)
    %mul3A_29 = arith.constant 640 : i32
    %mul3A_30 = arith.muli %arg1, %mul3A_29 : i32
    %mul3A_31 = arith.constant 640 : i32
    %mul3A_32 = arith.muli %arg1, %mul3A_31 : i32
    "tpu.region"() ({
      %run_scoped3A = tpu.sem_alloc : memref<!tpu.dma_semaphore, #tpu.memory_space<semaphore_mem>>
      %dma_start3A = arith.constant 0 : i32
      %dma_start3A_33 = arith.constant 0 : i32
      %dma_start3A_34 = tpu.memref_slice %arg3[%arg0, %dma_start3A, %dma_start3A_33] : memref<2x10240x16xf32, #tpu.memory_space<hbm>> -> memref<1x10240x16xf32, #tpu.memory_space<hbm>>
      %dma_start3A_35 = tpu.memref_squeeze %dma_start3A_34 : memref<1x10240x16xf32, #tpu.memory_space<hbm>> -> memref<10240x16xf32, #tpu.memory_space<hbm>>
      %dma_start3A_36 = arith.constant 0 : i32
      %dma_start3A_37 = tpu.memref_slice %dma_start3A_35[%mul3A_32, %dma_start3A_36] : memref<10240x16xf32, #tpu.memory_space<hbm>> -> memref<640x16xf32, #tpu.memory_space<hbm>>
      %dma_start3A_38 = arith.constant 0 : i32
      %dma_start3A_39 = tpu.memref_slice %arg8[%mul3A_30, %dma_start3A_38] : memref<10240x16xf32, #tpu.memory_space<vmem_shared>> -> memref<640x16xf32, #tpu.memory_space<vmem_shared>>
      tpu.enqueue_dma source(%dma_start3A_39 : memref<640x16xf32, #tpu.memory_space<vmem_shared>>) target(%dma_start3A_37 : memref<640x16xf32, #tpu.memory_space<hbm>>) target_semaphore(%run_scoped3A : memref<!tpu.dma_semaphore, #tpu.memory_space<semaphore_mem>>)
      %dma_wait3A = arith.constant 0 : i32
      %dma_wait3A_40 = arith.constant 0 : i32
      %dma_wait3A_41 = tpu.memref_slice %arg3[%arg0, %dma_wait3A, %dma_wait3A_40] : memref<2x10240x16xf32, #tpu.memory_space<hbm>> -> memref<1x10240x16xf32, #tpu.memory_space<hbm>>
      %dma_wait3A_42 = tpu.memref_squeeze %dma_wait3A_41 : memref<1x10240x16xf32, #tpu.memory_space<hbm>> -> memref<10240x16xf32, #tpu.memory_space<hbm>>
      %dma_wait3A_43 = arith.constant 0 : i32
      %dma_wait3A_44 = tpu.memref_slice %dma_wait3A_42[%mul3A_32, %dma_wait3A_43] : memref<10240x16xf32, #tpu.memory_space<hbm>> -> memref<640x16xf32, #tpu.memory_space<hbm>>
      %dma_wait3A_45 = arith.constant 0 : i32
      %dma_wait3A_46 = tpu.memref_slice %arg8[%mul3A_30, %dma_wait3A_45] : memref<10240x16xf32, #tpu.memory_space<vmem_shared>> -> memref<640x16xf32, #tpu.memory_space<vmem_shared>>
      tpu.wait_dma2 semaphore(%run_scoped3A : memref<!tpu.dma_semaphore, #tpu.memory_space<semaphore_mem>>) src(%dma_wait3A_46 : memref<640x16xf32, #tpu.memory_space<vmem_shared>>) dst(%dma_wait3A_44 : memref<640x16xf32, #tpu.memory_space<hbm>>)
      tpu.yield
    }) : () -> ()
    return
  }
}

#map = affine_map<(d0, d1) -> (0, 0)>
module attributes {stable_mosaic.version = 14 : i64} {
  func.func @gather(%arg0: i32, %arg1: i32, %arg2: memref<10240x16xf32, #tpu.memory_space<hbm>>, %arg3: memref<1280x125xi32, #tpu.memory_space<hbm>>, %arg4: memref<160000x16xf32, #tpu.memory_space<hbm>>, %arg5: memref<40x125xi32, #tpu.memory_space<vmem>>, %arg6: memref<5000x16xf32, #tpu.memory_space<vmem>>, %arg7: memref<!tpu.dma_semaphore, #tpu.memory_space<semaphore_mem>>) attributes {dimension_semantics = [#tpu.dimension_semantics<core_parallel>, #tpu.dimension_semantics<subcore_parallel>], iteration_bounds = array<i64: 2, 16>, scalar_prefetch = 0 : i64, scratch_operands = 3 : i64, tpu.core_type = #tpu.core_type<sc_vector_subcore>, window_params = [{transform_indices = #map}, {transform_indices = #map}, {transform_indices = #map}]} {
    %mul3A = arith.constant 2 : i32
    %mul3A_0 = arith.muli %arg1, %mul3A : i32
    %add3A = arith.addi %mul3A_0, %arg0 : i32
    %mul3A_1 = arith.constant 40 : i32
    %mul3A_2 = arith.muli %add3A, %mul3A_1 : i32
    "tpu.region"() ({
      %run_scoped3A = tpu.sem_alloc : memref<!tpu.dma_semaphore, #tpu.memory_space<semaphore_mem>>
      %dma_start3A = arith.constant 0 : i32
      %dma_start3A_16 = tpu.memref_slice %arg3[%mul3A_2, %dma_start3A] : memref<1280x125xi32, #tpu.memory_space<hbm>> -> memref<40x125xi32, #tpu.memory_space<hbm>>
      %dma_start3A_17 = arith.constant 0 : i32
      %dma_start3A_18 = tpu.memref_slice %arg3[%mul3A_2, %dma_start3A_17] : memref<1280x125xi32, #tpu.memory_space<hbm>> -> memref<40x125xi32, #tpu.memory_space<hbm>>
      tpu.enqueue_dma source(%dma_start3A_18 : memref<40x125xi32, #tpu.memory_space<hbm>>) target(%arg5 : memref<40x125xi32, #tpu.memory_space<vmem>>) target_semaphore(%run_scoped3A : memref<!tpu.dma_semaphore, #tpu.memory_space<semaphore_mem>>)
      %dma_wait3A = arith.constant 0 : i32
      %dma_wait3A_19 = tpu.memref_slice %arg3[%mul3A_2, %dma_wait3A] : memref<1280x125xi32, #tpu.memory_space<hbm>> -> memref<40x125xi32, #tpu.memory_space<hbm>>
      %dma_wait3A_20 = arith.constant 0 : i32
      %dma_wait3A_21 = tpu.memref_slice %arg3[%mul3A_2, %dma_wait3A_20] : memref<1280x125xi32, #tpu.memory_space<hbm>> -> memref<40x125xi32, #tpu.memory_space<hbm>>
      tpu.wait_dma2 semaphore(%run_scoped3A : memref<!tpu.dma_semaphore, #tpu.memory_space<semaphore_mem>>) src(%dma_wait3A_21 : memref<40x125xi32, #tpu.memory_space<hbm>>) dst(%arg5 : memref<40x125xi32, #tpu.memory_space<vmem>>)
      tpu.yield
    }) : () -> ()
    %scan3A = arith.constant 0 : i32
    %scan3A_3 = arith.constant 0 : i32
    %scan3A_4 = arith.constant 40 : i32
    %scan3A_5 = arith.addi %scan3A_3, %scan3A_4 : i32
    %scan3A_6 = arith.constant 1 : i32
    scf.for %scan3A_16 = %scan3A_3 to %scan3A_5 step %scan3A_6  : i32 {
      %mul3A_17 = arith.constant 125 : i32
      %mul3A_18 = arith.muli %scan3A_16, %mul3A_17 : i32
      %dma_start3A = arith.constant 0 : i32
      %dma_start3A_19 = tpu.memref_slice %arg6[%mul3A_18, %dma_start3A] : memref<5000x16xf32, #tpu.memory_space<vmem>> -> memref<125x16xf32, #tpu.memory_space<vmem>>
      %dma_start3A_20 = arith.constant 0 : i32
      %dma_start3A_21 = tpu.memref_slice %arg5[%scan3A_16, %dma_start3A_20] : memref<40x125xi32, #tpu.memory_space<vmem>> -> memref<1x125xi32, #tpu.memory_space<vmem>>
      %dma_start3A_22 = tpu.memref_squeeze %dma_start3A_21 : memref<1x125xi32, #tpu.memory_space<vmem>> -> memref<125xi32, #tpu.memory_space<vmem>>
      %dma_start3A_23 = arith.constant 0 : i32
      %dma_start3A_24 = arith.constant 0 : i32
      %dma_start3A_25 = tpu.memref_slice %arg2[%dma_start3A_23, %dma_start3A_24] : memref<10240x16xf32, #tpu.memory_space<hbm>> -> memref<10240x16xf32, #tpu.memory_space<hbm>>
      tpu.enqueue_indirect_dma source(%dma_start3A_25 : memref<10240x16xf32, #tpu.memory_space<hbm>>) target(%dma_start3A_19 : memref<125x16xf32, #tpu.memory_space<vmem>>) offsets(%dma_start3A_22 : memref<125xi32, #tpu.memory_space<vmem>>) semaphore(%arg7 : memref<!tpu.dma_semaphore, #tpu.memory_space<semaphore_mem>>)
    }
    %scan3A_7 = arith.constant 40 : i32
    %scan3A_8 = arith.constant 0 : i32
    %scan3A_9 = arith.constant 0 : i32
    %scan3A_10 = arith.constant 40 : i32
    %scan3A_11 = arith.addi %scan3A_9, %scan3A_10 : i32
    %scan3A_12 = arith.constant 1 : i32
    scf.for %scan3A_16 = %scan3A_9 to %scan3A_11 step %scan3A_12  : i32 {
      %dma_wait3A = arith.constant 0 : i32
      %dma_wait3A_17 = arith.constant 0 : i32
      %dma_wait3A_18 = arith.constant 0 : i32
      %dma_wait3A_19 = tpu.memref_slice %arg6[%dma_wait3A_17, %dma_wait3A_18] : memref<5000x16xf32, #tpu.memory_space<vmem>> -> memref<125x16xf32, #tpu.memory_space<vmem>>
      %dma_wait3A_20 = arith.constant 0 : i32
      %dma_wait3A_21 = tpu.memref_slice %arg5[%dma_wait3A, %dma_wait3A_20] : memref<40x125xi32, #tpu.memory_space<vmem>> -> memref<1x125xi32, #tpu.memory_space<vmem>>
      %dma_wait3A_22 = tpu.memref_squeeze %dma_wait3A_21 : memref<1x125xi32, #tpu.memory_space<vmem>> -> memref<125xi32, #tpu.memory_space<vmem>>
      %dma_wait3A_23 = arith.constant 0 : i32
      %dma_wait3A_24 = arith.constant 0 : i32
      %dma_wait3A_25 = tpu.memref_slice %arg2[%dma_wait3A_23, %dma_wait3A_24] : memref<10240x16xf32, #tpu.memory_space<hbm>> -> memref<10240x16xf32, #tpu.memory_space<hbm>>
      tpu.wait_indirect_dma semaphore(%arg7 : memref<!tpu.dma_semaphore, #tpu.memory_space<semaphore_mem>>) src(%dma_wait3A_25 : memref<10240x16xf32, #tpu.memory_space<hbm>>) dst(%dma_wait3A_19 : memref<125x16xf32, #tpu.memory_space<vmem>>)
    }
    %scan3A_13 = arith.constant 40 : i32
    %mul3A_14 = arith.constant 5000 : i32
    %mul3A_15 = arith.muli %add3A, %mul3A_14 : i32
    "tpu.region"() ({
      %run_scoped3A = tpu.sem_alloc : memref<!tpu.dma_semaphore, #tpu.memory_space<semaphore_mem>>
      %dma_start3A = arith.constant 0 : i32
      %dma_start3A_16 = tpu.memref_slice %arg4[%mul3A_15, %dma_start3A] : memref<160000x16xf32, #tpu.memory_space<hbm>> -> memref<5000x16xf32, #tpu.memory_space<hbm>>
      %dma_start3A_17 = arith.constant 0 : i32
      %dma_start3A_18 = tpu.memref_slice %arg4[%mul3A_15, %dma_start3A_17] : memref<160000x16xf32, #tpu.memory_space<hbm>> -> memref<5000x16xf32, #tpu.memory_space<hbm>>
      tpu.enqueue_dma source(%arg6 : memref<5000x16xf32, #tpu.memory_space<vmem>>) target(%dma_start3A_18 : memref<5000x16xf32, #tpu.memory_space<hbm>>) target_semaphore(%run_scoped3A : memref<!tpu.dma_semaphore, #tpu.memory_space<semaphore_mem>>)
      %dma_wait3A = arith.constant 0 : i32
      %dma_wait3A_19 = tpu.memref_slice %arg4[%mul3A_15, %dma_wait3A] : memref<160000x16xf32, #tpu.memory_space<hbm>> -> memref<5000x16xf32, #tpu.memory_space<hbm>>
      %dma_wait3A_20 = arith.constant 0 : i32
      %dma_wait3A_21 = tpu.memref_slice %arg4[%mul3A_15, %dma_wait3A_20] : memref<160000x16xf32, #tpu.memory_space<hbm>> -> memref<5000x16xf32, #tpu.memory_space<hbm>>
      tpu.wait_dma2 semaphore(%run_scoped3A : memref<!tpu.dma_semaphore, #tpu.memory_space<semaphore_mem>>) src(%arg6 : memref<5000x16xf32, #tpu.memory_space<vmem>>) dst(%dma_wait3A_21 : memref<5000x16xf32, #tpu.memory_space<hbm>>)
      tpu.yield
    }) : () -> ()
    return
  }
}

#map = affine_map<(d0, d1) -> (0, 0)>
#map1 = affine_map<(d0, d1) -> (0, 0, 0)>
module attributes {stable_mosaic.version = 14 : i64} {
  func.func @scatter(%arg0: i32, %arg1: i32, %arg2: memref<1280x125xi32, #tpu.memory_space<hbm>>, %arg3: memref<160000x16xf32, #tpu.memory_space<hbm>>, %arg4: memref<2x10240x16xf32, #tpu.memory_space<hbm>>, %arg5: memref<40x125xi32, #tpu.memory_space<vmem>>, %arg6: memref<5000x16xf32, #tpu.memory_space<vmem>>, %arg7: memref<640x16xf32, #tpu.memory_space<vmem>>, %arg8: memref<!tpu.dma_semaphore, #tpu.memory_space<semaphore_mem>>, %arg9: memref<10240x16xf32, #tpu.memory_space<vmem_shared>>) attributes {dimension_semantics = [#tpu.dimension_semantics<core_parallel>, #tpu.dimension_semantics<subcore_parallel>], iteration_bounds = array<i64: 2, 16>, scalar_prefetch = 0 : i64, scratch_operands = 5 : i64, tpu.core_type = #tpu.core_type<sc_vector_subcore>, window_params = [{transform_indices = #map}, {transform_indices = #map}, {transform_indices = #map1}]} {
    %mul3A = arith.constant 2 : i32
    %mul3A_0 = arith.muli %arg1, %mul3A : i32
    %add3A = arith.addi %mul3A_0, %arg0 : i32
    %mul3A_1 = arith.constant 40 : i32
    %mul3A_2 = arith.muli %add3A, %mul3A_1 : i32
    "tpu.region"() ({
      %run_scoped3A = tpu.sem_alloc : memref<!tpu.dma_semaphore, #tpu.memory_space<semaphore_mem>>
      %dma_start3A = arith.constant 0 : i32
      %dma_start3A_29 = tpu.memref_slice %arg2[%mul3A_2, %dma_start3A] : memref<1280x125xi32, #tpu.memory_space<hbm>> -> memref<40x125xi32, #tpu.memory_space<hbm>>
      %dma_start3A_30 = arith.constant 0 : i32
      %dma_start3A_31 = tpu.memref_slice %arg2[%mul3A_2, %dma_start3A_30] : memref<1280x125xi32, #tpu.memory_space<hbm>> -> memref<40x125xi32, #tpu.memory_space<hbm>>
      tpu.enqueue_dma source(%dma_start3A_31 : memref<40x125xi32, #tpu.memory_space<hbm>>) target(%arg5 : memref<40x125xi32, #tpu.memory_space<vmem>>) target_semaphore(%run_scoped3A : memref<!tpu.dma_semaphore, #tpu.memory_space<semaphore_mem>>)
      %dma_wait3A = arith.constant 0 : i32
      %dma_wait3A_32 = tpu.memref_slice %arg2[%mul3A_2, %dma_wait3A] : memref<1280x125xi32, #tpu.memory_space<hbm>> -> memref<40x125xi32, #tpu.memory_space<hbm>>
      %dma_wait3A_33 = arith.constant 0 : i32
      %dma_wait3A_34 = tpu.memref_slice %arg2[%mul3A_2, %dma_wait3A_33] : memref<1280x125xi32, #tpu.memory_space<hbm>> -> memref<40x125xi32, #tpu.memory_space<hbm>>
      tpu.wait_dma2 semaphore(%run_scoped3A : memref<!tpu.dma_semaphore, #tpu.memory_space<semaphore_mem>>) src(%dma_wait3A_34 : memref<40x125xi32, #tpu.memory_space<hbm>>) dst(%arg5 : memref<40x125xi32, #tpu.memory_space<vmem>>)
      tpu.yield
    }) : () -> ()
    %mul3A_3 = arith.constant 5000 : i32
    %mul3A_4 = arith.muli %add3A, %mul3A_3 : i32
    "tpu.region"() ({
      %run_scoped3A = tpu.sem_alloc : memref<!tpu.dma_semaphore, #tpu.memory_space<semaphore_mem>>
      %dma_start3A = arith.constant 0 : i32
      %dma_start3A_29 = tpu.memref_slice %arg3[%mul3A_4, %dma_start3A] : memref<160000x16xf32, #tpu.memory_space<hbm>> -> memref<5000x16xf32, #tpu.memory_space<hbm>>
      %dma_start3A_30 = arith.constant 0 : i32
      %dma_start3A_31 = tpu.memref_slice %arg3[%mul3A_4, %dma_start3A_30] : memref<160000x16xf32, #tpu.memory_space<hbm>> -> memref<5000x16xf32, #tpu.memory_space<hbm>>
      tpu.enqueue_dma source(%dma_start3A_31 : memref<5000x16xf32, #tpu.memory_space<hbm>>) target(%arg6 : memref<5000x16xf32, #tpu.memory_space<vmem>>) target_semaphore(%run_scoped3A : memref<!tpu.dma_semaphore, #tpu.memory_space<semaphore_mem>>)
      %dma_wait3A = arith.constant 0 : i32
      %dma_wait3A_32 = tpu.memref_slice %arg3[%mul3A_4, %dma_wait3A] : memref<160000x16xf32, #tpu.memory_space<hbm>> -> memref<5000x16xf32, #tpu.memory_space<hbm>>
      %dma_wait3A_33 = arith.constant 0 : i32
      %dma_wait3A_34 = tpu.memref_slice %arg3[%mul3A_4, %dma_wait3A_33] : memref<160000x16xf32, #tpu.memory_space<hbm>> -> memref<5000x16xf32, #tpu.memory_space<hbm>>
      tpu.wait_dma2 semaphore(%run_scoped3A : memref<!tpu.dma_semaphore, #tpu.memory_space<semaphore_mem>>) src(%dma_wait3A_34 : memref<5000x16xf32, #tpu.memory_space<hbm>>) dst(%arg6 : memref<5000x16xf32, #tpu.memory_space<vmem>>)
      tpu.yield
    }) : () -> ()
    %scan3A = arith.constant 0 : i32
    %scan3A_5 = arith.constant 0 : i32
    %scan3A_6 = arith.constant 640 : i32
    %scan3A_7 = arith.addi %scan3A_5, %scan3A_6 : i32
    %scan3A_8 = arith.constant 1 : i32
    scf.for %scan3A_29 = %scan3A_5 to %scan3A_7 step %scan3A_8  : i32 {
      %broadcast_in_dim3A = arith.constant 0.000000e+00 : f32
      %broadcast_in_dim3A_30 = vector.broadcast %broadcast_in_dim3A : f32 to vector<16xf32>
      %swap3A = arith.index_cast %scan3A_29 : i32 to index
      %swap3A_31 = arith.constant 0 : index
      %swap3A_32 = tpu.vector_load %arg7[%swap3A, %swap3A_31] {strides = array<i32>} : memref<640x16xf32, #tpu.memory_space<vmem>>, vector<1x16xf32>,
      %swap3A_33 = vector.shape_cast %swap3A_32 : vector<1x16xf32> to vector<16xf32>
      %swap3A_34 = vector.shape_cast %broadcast_in_dim3A_30 : vector<16xf32> to vector<1x16xf32>
      tpu.vector_store %arg7[%swap3A, %swap3A_31], %swap3A_34 {strides = array<i32>} : memref<640x16xf32, #tpu.memory_space<vmem>>, vector<1x16xf32>,
    }
    %scan3A_9 = arith.constant 640 : i32
    %mul3A_10 = arith.constant 640 : i32
    %mul3A_11 = arith.muli %arg1, %mul3A_10 : i32
    "tpu.region"() ({
      %run_scoped3A = tpu.sem_alloc : memref<!tpu.dma_semaphore, #tpu.memory_space<semaphore_mem>>
      %dma_start3A = arith.constant 0 : i32
      %dma_start3A_29 = tpu.memref_slice %arg9[%mul3A_11, %dma_start3A] : memref<10240x16xf32, #tpu.memory_space<vmem_shared>> -> memref<640x16xf32, #tpu.memory_space<vmem_shared>>
      %dma_start3A_30 = arith.constant 0 : i32
      %dma_start3A_31 = tpu.memref_slice %arg9[%mul3A_11, %dma_start3A_30] : memref<10240x16xf32, #tpu.memory_space<vmem_shared>> -> memref<640x16xf32, #tpu.memory_space<vmem_shared>>
      tpu.enqueue_dma source(%arg7 : memref<640x16xf32, #tpu.memory_space<vmem>>) target(%dma_start3A_31 : memref<640x16xf32, #tpu.memory_space<vmem_shared>>) target_semaphore(%run_scoped3A : memref<!tpu.dma_semaphore, #tpu.memory_space<semaphore_mem>>)
      %dma_wait3A = arith.constant 0 : i32
      %dma_wait3A_32 = tpu.memref_slice %arg9[%mul3A_11, %dma_wait3A] : memref<10240x16xf32, #tpu.memory_space<vmem_shared>> -> memref<640x16xf32, #tpu.memory_space<vmem_shared>>
      %dma_wait3A_33 = arith.constant 0 : i32
      %dma_wait3A_34 = tpu.memref_slice %arg9[%mul3A_11, %dma_wait3A_33] : memref<10240x16xf32, #tpu.memory_space<vmem_shared>> -> memref<640x16xf32, #tpu.memory_space<vmem_shared>>
      tpu.wait_dma2 semaphore(%run_scoped3A : memref<!tpu.dma_semaphore, #tpu.memory_space<semaphore_mem>>) src(%arg7 : memref<640x16xf32, #tpu.memory_space<vmem>>) dst(%dma_wait3A_34 : memref<640x16xf32, #tpu.memory_space<vmem_shared>>)
      tpu.yield
    }) : () -> ()
    %barrier3A = arith.constant 0 : index
    tpu.barrier barrier_id(%barrier3A)
    %scan3A_12 = arith.constant 0 : i32
    %scan3A_13 = arith.constant 0 : i32
    %scan3A_14 = arith.constant 40 : i32
    %scan3A_15 = arith.addi %scan3A_13, %scan3A_14 : i32
    %scan3A_16 = arith.constant 1 : i32
    scf.for %scan3A_29 = %scan3A_13 to %scan3A_15 step %scan3A_16  : i32 {
      %mul3A_30 = arith.constant 125 : i32
      %mul3A_31 = arith.muli %scan3A_29, %mul3A_30 : i32
      %dma_start3A = arith.constant 0 : i32
      %dma_start3A_32 = tpu.memref_slice %arg6[%mul3A_31, %dma_start3A] : memref<5000x16xf32, #tpu.memory_space<vmem>> -> memref<125x16xf32, #tpu.memory_space<vmem>>
      %dma_start3A_33 = arith.constant 0 : i32
      %dma_start3A_34 = tpu.memref_slice %arg5[%scan3A_29, %dma_start3A_33] : memref<40x125xi32, #tpu.memory_space<vmem>> -> memref<1x125xi32, #tpu.memory_space<vmem>>
      %dma_start3A_35 = tpu.memref_squeeze %dma_start3A_34 : memref<1x125xi32, #tpu.memory_space<vmem>> -> memref<125xi32, #tpu.memory_space<vmem>>
      %dma_start3A_36 = arith.constant 0 : i32
      %dma_start3A_37 = arith.constant 0 : i32
      %dma_start3A_38 = tpu.memref_slice %arg9[%dma_start3A_36, %dma_start3A_37] : memref<10240x16xf32, #tpu.memory_space<vmem_shared>> -> memref<10240x16xf32, #tpu.memory_space<vmem_shared>>
      tpu.enqueue_indirect_dma source(%dma_start3A_32 : memref<125x16xf32, #tpu.memory_space<vmem>>) target(%dma_start3A_38 : memref<10240x16xf32, #tpu.memory_space<vmem_shared>>) offsets(%dma_start3A_35 : memref<125xi32, #tpu.memory_space<vmem>>) semaphore(%arg8 : memref<!tpu.dma_semaphore, #tpu.memory_space<semaphore_mem>>) {add = true}
    }
    %scan3A_17 = arith.constant 40 : i32
    %scan3A_18 = arith.constant 0 : i32
    %scan3A_19 = arith.constant 0 : i32
    %scan3A_20 = arith.constant 40 : i32
    %scan3A_21 = arith.addi %scan3A_19, %scan3A_20 : i32
    %scan3A_22 = arith.constant 1 : i32
    scf.for %scan3A_29 = %scan3A_19 to %scan3A_21 step %scan3A_22  : i32 {
      %dma_wait3A = arith.constant 0 : i32
      %dma_wait3A_30 = arith.constant 0 : i32
      %dma_wait3A_31 = arith.constant 0 : i32
      %dma_wait3A_32 = tpu.memref_slice %arg6[%dma_wait3A_30, %dma_wait3A_31] : memref<5000x16xf32, #tpu.memory_space<vmem>> -> memref<125x16xf32, #tpu.memory_space<vmem>>
      %dma_wait3A_33 = arith.constant 0 : i32
      %dma_wait3A_34 = tpu.memref_slice %arg5[%dma_wait3A, %dma_wait3A_33] : memref<40x125xi32, #tpu.memory_space<vmem>> -> memref<1x125xi32, #tpu.memory_space<vmem>>
      %dma_wait3A_35 = tpu.memref_squeeze %dma_wait3A_34 : memref<1x125xi32, #tpu.memory_space<vmem>> -> memref<125xi32, #tpu.memory_space<vmem>>
      %dma_wait3A_36 = arith.constant 0 : i32
      %dma_wait3A_37 = arith.constant 0 : i32
      %dma_wait3A_38 = tpu.memref_slice %arg9[%dma_wait3A_36, %dma_wait3A_37] : memref<10240x16xf32, #tpu.memory_space<vmem_shared>> -> memref<10240x16xf32, #tpu.memory_space<vmem_shared>>
      tpu.wait_indirect_dma semaphore(%arg8 : memref<!tpu.dma_semaphore, #tpu.memory_space<semaphore_mem>>) src(%dma_wait3A_32 : memref<125x16xf32, #tpu.memory_space<vmem>>) dst(%dma_wait3A_38 : memref<10240x16xf32, #tpu.memory_space<vmem_shared>>)
    }
    %scan3A_23 = arith.constant 40 : i32
    %barrier3A_24 = arith.constant 0 : index
    tpu.barrier barrier_id(%barrier3A_24)
    %mul3A_25 = arith.constant 640 : i32
    %mul3A_26 = arith.muli %arg1, %mul3A_25 : i32
    %mul3A_27 = arith.constant 640 : i32
    %mul3A_28 = arith.muli %arg1, %mul3A_27 : i32
    "tpu.region"() ({
      %run_scoped3A = tpu.sem_alloc : memref<!tpu.dma_semaphore, #tpu.memory_space<semaphore_mem>>
      %dma_start3A = arith.constant 0 : i32
      %dma_start3A_29 = arith.constant 0 : i32
      %dma_start3A_30 = tpu.memref_slice %arg4[%arg0, %dma_start3A, %dma_start3A_29] : memref<2x10240x16xf32, #tpu.memory_space<hbm>> -> memref<1x10240x16xf32, #tpu.memory_space<hbm>>
      %dma_start3A_31 = tpu.memref_squeeze %dma_start3A_30 : memref<1x10240x16xf32, #tpu.memory_space<hbm>> -> memref<10240x16xf32, #tpu.memory_space<hbm>>
      %dma_start3A_32 = arith.constant 0 : i32
      %dma_start3A_33 = tpu.memref_slice %dma_start3A_31[%mul3A_28, %dma_start3A_32] : memref<10240x16xf32, #tpu.memory_space<hbm>> -> memref<640x16xf32, #tpu.memory_space<hbm>>
      %dma_start3A_34 = arith.constant 0 : i32
      %dma_start3A_35 = tpu.memref_slice %arg9[%mul3A_26, %dma_start3A_34] : memref<10240x16xf32, #tpu.memory_space<vmem_shared>> -> memref<640x16xf32, #tpu.memory_space<vmem_shared>>
      tpu.enqueue_dma source(%dma_start3A_35 : memref<640x16xf32, #tpu.memory_space<vmem_shared>>) target(%dma_start3A_33 : memref<640x16xf32, #tpu.memory_space<hbm>>) target_semaphore(%run_scoped3A : memref<!tpu.dma_semaphore, #tpu.memory_space<semaphore_mem>>)
      %dma_wait3A = arith.constant 0 : i32
      %dma_wait3A_36 = arith.constant 0 : i32
      %dma_wait3A_37 = tpu.memref_slice %arg4[%arg0, %dma_wait3A, %dma_wait3A_36] : memref<2x10240x16xf32, #tpu.memory_space<hbm>> -> memref<1x10240x16xf32, #tpu.memory_space<hbm>>
      %dma_wait3A_38 = tpu.memref_squeeze %dma_wait3A_37 : memref<1x10240x16xf32, #tpu.memory_space<hbm>> -> memref<10240x16xf32, #tpu.memory_space<hbm>>
      %dma_wait3A_39 = arith.constant 0 : i32
      %dma_wait3A_40 = tpu.memref_slice %dma_wait3A_38[%mul3A_28, %dma_wait3A_39] : memref<10240x16xf32, #tpu.memory_space<hbm>> -> memref<640x16xf32, #tpu.memory_space<hbm>>
      %dma_wait3A_41 = arith.constant 0 : i32
      %dma_wait3A_42 = tpu.memref_slice %arg9[%mul3A_26, %dma_wait3A_41] : memref<10240x16xf32, #tpu.memory_space<vmem_shared>> -> memref<640x16xf32, #tpu.memory_space<vmem_shared>>
      tpu.wait_dma2 semaphore(%run_scoped3A : memref<!tpu.dma_semaphore, #tpu.memory_space<semaphore_mem>>) src(%dma_wait3A_42 : memref<640x16xf32, #tpu.memory_space<vmem_shared>>) dst(%dma_wait3A_40 : memref<640x16xf32, #tpu.memory_space<hbm>>)
      tpu.yield
    }) : () -> ()
    return
  }
}

#map = affine_map<(d0, d1) -> (0, 0)>
#map1 = affine_map<(d0, d1) -> (0, 0, 0)>
module attributes {stable_mosaic.version = 14 : i64} {
  func.func @scatter(%arg0: i32, %arg1: i32, %arg2: memref<1280x125xi32, #tpu.memory_space<hbm>>, %arg3: memref<160000x16xf32, #tpu.memory_space<hbm>>, %arg4: memref<2x10240x16xf32, #tpu.memory_space<hbm>>, %arg5: memref<40x125xi32, #tpu.memory_space<vmem>>, %arg6: memref<5000x16xf32, #tpu.memory_space<vmem>>, %arg7: memref<640x16xf32, #tpu.memory_space<vmem>>, %arg8: memref<!tpu.dma_semaphore, #tpu.memory_space<semaphore_mem>>, %arg9: memref<10240x16xf32, #tpu.memory_space<vmem_shared>>) attributes {dimension_semantics = [#tpu.dimension_semantics<core_parallel>, #tpu.dimension_semantics<subcore_parallel>], iteration_bounds = array<i64: 2, 16>, scalar_prefetch = 0 : i64, scratch_operands = 5 : i64, tpu.core_type = #tpu.core_type<sc_vector_subcore>, window_params = [{transform_indices = #map}, {transform_indices = #map}, {transform_indices = #map1}]} {
    %mul3A = arith.constant 2 : i32
    %mul3A_0 = arith.muli %arg1, %mul3A : i32
    %add3A = arith.addi %mul3A_0, %arg0 : i32
    %mul3A_1 = arith.constant 40 : i32
    %mul3A_2 = arith.muli %add3A, %mul3A_1 : i32
    "tpu.region"() ({
      %run_scoped3A = tpu.sem_alloc : memref<!tpu.dma_semaphore, #tpu.memory_space<semaphore_mem>>
      %dma_start3A = arith.constant 0 : i32
      %dma_start3A_29 = tpu.memref_slice %arg2[%mul3A_2, %dma_start3A] : memref<1280x125xi32, #tpu.memory_space<hbm>> -> memref<40x125xi32, #tpu.memory_space<hbm>>
      %dma_start3A_30 = arith.constant 0 : i32
      %dma_start3A_31 = tpu.memref_slice %arg2[%mul3A_2, %dma_start3A_30] : memref<1280x125xi32, #tpu.memory_space<hbm>> -> memref<40x125xi32, #tpu.memory_space<hbm>>
      tpu.enqueue_dma source(%dma_start3A_31 : memref<40x125xi32, #tpu.memory_space<hbm>>) target(%arg5 : memref<40x125xi32, #tpu.memory_space<vmem>>) target_semaphore(%run_scoped3A : memref<!tpu.dma_semaphore, #tpu.memory_space<semaphore_mem>>)
      %dma_wait3A = arith.constant 0 : i32
      %dma_wait3A_32 = tpu.memref_slice %arg2[%mul3A_2, %dma_wait3A] : memref<1280x125xi32, #tpu.memory_space<hbm>> -> memref<40x125xi32, #tpu.memory_space<hbm>>
      %dma_wait3A_33 = arith.constant 0 : i32
      %dma_wait3A_34 = tpu.memref_slice %arg2[%mul3A_2, %dma_wait3A_33] : memref<1280x125xi32, #tpu.memory_space<hbm>> -> memref<40x125xi32, #tpu.memory_space<hbm>>
      tpu.wait_dma2 semaphore(%run_scoped3A : memref<!tpu.dma_semaphore, #tpu.memory_space<semaphore_mem>>) src(%dma_wait3A_34 : memref<40x125xi32, #tpu.memory_space<hbm>>) dst(%arg5 : memref<40x125xi32, #tpu.memory_space<vmem>>)
      tpu.yield
    }) : () -> ()
    %mul3A_3 = arith.constant 5000 : i32
    %mul3A_4 = arith.muli %add3A, %mul3A_3 : i32
    "tpu.region"() ({
      %run_scoped3A = tpu.sem_alloc : memref<!tpu.dma_semaphore, #tpu.memory_space<semaphore_mem>>
      %dma_start3A = arith.constant 0 : i32
      %dma_start3A_29 = tpu.memref_slice %arg3[%mul3A_4, %dma_start3A] : memref<160000x16xf32, #tpu.memory_space<hbm>> -> memref<5000x16xf32, #tpu.memory_space<hbm>>
      %dma_start3A_30 = arith.constant 0 : i32
      %dma_start3A_31 = tpu.memref_slice %arg3[%mul3A_4, %dma_start3A_30] : memref<160000x16xf32, #tpu.memory_space<hbm>> -> memref<5000x16xf32, #tpu.memory_space<hbm>>
      tpu.enqueue_dma source(%dma_start3A_31 : memref<5000x16xf32, #tpu.memory_space<hbm>>) target(%arg6 : memref<5000x16xf32, #tpu.memory_space<vmem>>) target_semaphore(%run_scoped3A : memref<!tpu.dma_semaphore, #tpu.memory_space<semaphore_mem>>)
      %dma_wait3A = arith.constant 0 : i32
      %dma_wait3A_32 = tpu.memref_slice %arg3[%mul3A_4, %dma_wait3A] : memref<160000x16xf32, #tpu.memory_space<hbm>> -> memref<5000x16xf32, #tpu.memory_space<hbm>>
      %dma_wait3A_33 = arith.constant 0 : i32
      %dma_wait3A_34 = tpu.memref_slice %arg3[%mul3A_4, %dma_wait3A_33] : memref<160000x16xf32, #tpu.memory_space<hbm>> -> memref<5000x16xf32, #tpu.memory_space<hbm>>
      tpu.wait_dma2 semaphore(%run_scoped3A : memref<!tpu.dma_semaphore, #tpu.memory_space<semaphore_mem>>) src(%dma_wait3A_34 : memref<5000x16xf32, #tpu.memory_space<hbm>>) dst(%arg6 : memref<5000x16xf32, #tpu.memory_space<vmem>>)
      tpu.yield
    }) : () -> ()
    %scan3A = arith.constant 0 : i32
    %scan3A_5 = arith.constant 0 : i32
    %scan3A_6 = arith.constant 640 : i32
    %scan3A_7 = arith.addi %scan3A_5, %scan3A_6 : i32
    %scan3A_8 = arith.constant 1 : i32
    scf.for %scan3A_29 = %scan3A_5 to %scan3A_7 step %scan3A_8  : i32 {
      %broadcast_in_dim3A = arith.constant 0.000000e+00 : f32
      %broadcast_in_dim3A_30 = vector.broadcast %broadcast_in_dim3A : f32 to vector<16xf32>
      %swap3A = arith.index_cast %scan3A_29 : i32 to index
      %swap3A_31 = arith.constant 0 : index
      %swap3A_32 = tpu.vector_load %arg7[%swap3A, %swap3A_31] {strides = array<i32>} : memref<640x16xf32, #tpu.memory_space<vmem>>, vector<1x16xf32>,
      %swap3A_33 = vector.shape_cast %swap3A_32 : vector<1x16xf32> to vector<16xf32>
      %swap3A_34 = vector.shape_cast %broadcast_in_dim3A_30 : vector<16xf32> to vector<1x16xf32>
      tpu.vector_store %arg7[%swap3A, %swap3A_31], %swap3A_34 {strides = array<i32>} : memref<640x16xf32, #tpu.memory_space<vmem>>, vector<1x16xf32>,
    }
    %scan3A_9 = arith.constant 640 : i32
    %mul3A_10 = arith.constant 640 : i32
    %mul3A_11 = arith.muli %arg1, %mul3A_10 : i32
    "tpu.region"() ({
      %run_scoped3A = tpu.sem_alloc : memref<!tpu.dma_semaphore, #tpu.memory_space<semaphore_mem>>
      %dma_start3A = arith.constant 0 : i32
      %dma_start3A_29 = tpu.memref_slice %arg9[%mul3A_11, %dma_start3A] : memref<10240x16xf32, #tpu.memory_space<vmem_shared>> -> memref<640x16xf32, #tpu.memory_space<vmem_shared>>
      %dma_start3A_30 = arith.constant 0 : i32
      %dma_start3A_31 = tpu.memref_slice %arg9[%mul3A_11, %dma_start3A_30] : memref<10240x16xf32, #tpu.memory_space<vmem_shared>> -> memref<640x16xf32, #tpu.memory_space<vmem_shared>>
      tpu.enqueue_dma source(%arg7 : memref<640x16xf32, #tpu.memory_space<vmem>>) target(%dma_start3A_31 : memref<640x16xf32, #tpu.memory_space<vmem_shared>>) target_semaphore(%run_scoped3A : memref<!tpu.dma_semaphore, #tpu.memory_space<semaphore_mem>>)
      %dma_wait3A = arith.constant 0 : i32
      %dma_wait3A_32 = tpu.memref_slice %arg9[%mul3A_11, %dma_wait3A] : memref<10240x16xf32, #tpu.memory_space<vmem_shared>> -> memref<640x16xf32, #tpu.memory_space<vmem_shared>>
      %dma_wait3A_33 = arith.constant 0 : i32
      %dma_wait3A_34 = tpu.memref_slice %arg9[%mul3A_11, %dma_wait3A_33] : memref<10240x16xf32, #tpu.memory_space<vmem_shared>> -> memref<640x16xf32, #tpu.memory_space<vmem_shared>>
      tpu.wait_dma2 semaphore(%run_scoped3A : memref<!tpu.dma_semaphore, #tpu.memory_space<semaphore_mem>>) src(%arg7 : memref<640x16xf32, #tpu.memory_space<vmem>>) dst(%dma_wait3A_34 : memref<640x16xf32, #tpu.memory_space<vmem_shared>>)
      tpu.yield
    }) : () -> ()
    %barrier3A = arith.constant 0 : index
    tpu.barrier barrier_id(%barrier3A)
    %scan3A_12 = arith.constant 0 : i32
    %scan3A_13 = arith.constant 0 : i32
    %scan3A_14 = arith.constant 40 : i32
    %scan3A_15 = arith.addi %scan3A_13, %scan3A_14 : i32
    %scan3A_16 = arith.constant 1 : i32
    scf.for %scan3A_29 = %scan3A_13 to %scan3A_15 step %scan3A_16  : i32 {
      %mul3A_30 = arith.constant 125 : i32
      %mul3A_31 = arith.muli %scan3A_29, %mul3A_30 : i32
      %dma_start3A = arith.constant 0 : i32
      %dma_start3A_32 = tpu.memref_slice %arg6[%mul3A_31, %dma_start3A] : memref<5000x16xf32, #tpu.memory_space<vmem>> -> memref<125x16xf32, #tpu.memory_space<vmem>>
      %dma_start3A_33 = arith.constant 0 : i32
      %dma_start3A_34 = tpu.memref_slice %arg5[%scan3A_29, %dma_start3A_33] : memref<40x125xi32, #tpu.memory_space<vmem>> -> memref<1x125xi32, #tpu.memory_space<vmem>>
      %dma_start3A_35 = tpu.memref_squeeze %dma_start3A_34 : memref<1x125xi32, #tpu.memory_space<vmem>> -> memref<125xi32, #tpu.memory_space<vmem>>
      %dma_start3A_36 = arith.constant 0 : i32
      %dma_start3A_37 = arith.constant 0 : i32
      %dma_start3A_38 = tpu.memref_slice %arg9[%dma_start3A_36, %dma_start3A_37] : memref<10240x16xf32, #tpu.memory_space<vmem_shared>> -> memref<10240x16xf32, #tpu.memory_space<vmem_shared>>
      tpu.enqueue_indirect_dma source(%dma_start3A_32 : memref<125x16xf32, #tpu.memory_space<vmem>>) target(%dma_start3A_38 : memref<10240x16xf32, #tpu.memory_space<vmem_shared>>) offsets(%dma_start3A_35 : memref<125xi32, #tpu.memory_space<vmem>>) semaphore(%arg8 : memref<!tpu.dma_semaphore, #tpu.memory_space<semaphore_mem>>) {add = true}
    }
    %scan3A_17 = arith.constant 40 : i32
    %scan3A_18 = arith.constant 0 : i32
    %scan3A_19 = arith.constant 0 : i32
    %scan3A_20 = arith.constant 40 : i32
    %scan3A_21 = arith.addi %scan3A_19, %scan3A_20 : i32
    %scan3A_22 = arith.constant 1 : i32
    scf.for %scan3A_29 = %scan3A_19 to %scan3A_21 step %scan3A_22  : i32 {
      %dma_wait3A = arith.constant 0 : i32
      %dma_wait3A_30 = arith.constant 0 : i32
      %dma_wait3A_31 = arith.constant 0 : i32
      %dma_wait3A_32 = tpu.memref_slice %arg6[%dma_wait3A_30, %dma_wait3A_31] : memref<5000x16xf32, #tpu.memory_space<vmem>> -> memref<125x16xf32, #tpu.memory_space<vmem>>
      %dma_wait3A_33 = arith.constant 0 : i32
      %dma_wait3A_34 = tpu.memref_slice %arg5[%dma_wait3A, %dma_wait3A_33] : memref<40x125xi32, #tpu.memory_space<vmem>> -> memref<1x125xi32, #tpu.memory_space<vmem>>
      %dma_wait3A_35 = tpu.memref_squeeze %dma_wait3A_34 : memref<1x125xi32, #tpu.memory_space<vmem>> -> memref<125xi32, #tpu.memory_space<vmem>>
      %dma_wait3A_36 = arith.constant 0 : i32
      %dma_wait3A_37 = arith.constant 0 : i32
      %dma_wait3A_38 = tpu.memref_slice %arg9[%dma_wait3A_36, %dma_wait3A_37] : memref<10240x16xf32, #tpu.memory_space<vmem_shared>> -> memref<10240x16xf32, #tpu.memory_space<vmem_shared>>
      tpu.wait_indirect_dma semaphore(%arg8 : memref<!tpu.dma_semaphore, #tpu.memory_space<semaphore_mem>>) src(%dma_wait3A_32 : memref<125x16xf32, #tpu.memory_space<vmem>>) dst(%dma_wait3A_38 : memref<10240x16xf32, #tpu.memory_space<vmem_shared>>)
    }
    %scan3A_23 = arith.constant 40 : i32
    %barrier3A_24 = arith.constant 0 : index
    tpu.barrier barrier_id(%barrier3A_24)
    %mul3A_25 = arith.constant 640 : i32
    %mul3A_26 = arith.muli %arg1, %mul3A_25 : i32
    %mul3A_27 = arith.constant 640 : i32
    %mul3A_28 = arith.muli %arg1, %mul3A_27 : i32
    "tpu.region"() ({
      %run_scoped3A = tpu.sem_alloc : memref<!tpu.dma_semaphore, #tpu.memory_space<semaphore_mem>>
      %dma_start3A = arith.constant 0 : i32
      %dma_start3A_29 = arith.constant 0 : i32
      %dma_start3A_30 = tpu.memref_slice %arg4[%arg0, %dma_start3A, %dma_start3A_29] : memref<2x10240x16xf32, #tpu.memory_space<hbm>> -> memref<1x10240x16xf32, #tpu.memory_space<hbm>>
      %dma_start3A_31 = tpu.memref_squeeze %dma_start3A_30 : memref<1x10240x16xf32, #tpu.memory_space<hbm>> -> memref<10240x16xf32, #tpu.memory_space<hbm>>
      %dma_start3A_32 = arith.constant 0 : i32
      %dma_start3A_33 = tpu.memref_slice %dma_start3A_31[%mul3A_28, %dma_start3A_32] : memref<10240x16xf32, #tpu.memory_space<hbm>> -> memref<640x16xf32, #tpu.memory_space<hbm>>
      %dma_start3A_34 = arith.constant 0 : i32
      %dma_start3A_35 = tpu.memref_slice %arg9[%mul3A_26, %dma_start3A_34] : memref<10240x16xf32, #tpu.memory_space<vmem_shared>> -> memref<640x16xf32, #tpu.memory_space<vmem_shared>>
      tpu.enqueue_dma source(%dma_start3A_35 : memref<640x16xf32, #tpu.memory_space<vmem_shared>>) target(%dma_start3A_33 : memref<640x16xf32, #tpu.memory_space<hbm>>) target_semaphore(%run_scoped3A : memref<!tpu.dma_semaphore, #tpu.memory_space<semaphore_mem>>)
      %dma_wait3A = arith.constant 0 : i32
      %dma_wait3A_36 = arith.constant 0 : i32
      %dma_wait3A_37 = tpu.memref_slice %arg4[%arg0, %dma_wait3A, %dma_wait3A_36] : memref<2x10240x16xf32, #tpu.memory_space<hbm>> -> memref<1x10240x16xf32, #tpu.memory_space<hbm>>
      %dma_wait3A_38 = tpu.memref_squeeze %dma_wait3A_37 : memref<1x10240x16xf32, #tpu.memory_space<hbm>> -> memref<10240x16xf32, #tpu.memory_space<hbm>>
      %dma_wait3A_39 = arith.constant 0 : i32
      %dma_wait3A_40 = tpu.memref_slice %dma_wait3A_38[%mul3A_28, %dma_wait3A_39] : memref<10240x16xf32, #tpu.memory_space<hbm>> -> memref<640x16xf32, #tpu.memory_space<hbm>>
      %dma_wait3A_41 = arith.constant 0 : i32
      %dma_wait3A_42 = tpu.memref_slice %arg9[%mul3A_26, %dma_wait3A_41] : memref<10240x16xf32, #tpu.memory_space<vmem_shared>> -> memref<640x16xf32, #tpu.memory_space<vmem_shared>>
      tpu.wait_dma2 semaphore(%run_scoped3A : memref<!tpu.dma_semaphore, #tpu.memory_space<semaphore_mem>>) src(%dma_wait3A_42 : memref<640x16xf32, #tpu.memory_space<vmem_shared>>) dst(%dma_wait3A_40 : memref<640x16xf32, #tpu.memory_space<hbm>>)
      tpu.yield
    }) : () -> ()
    return
  }
}

module attributes {stable_mosaic.version = 14 : i64} {
  func.func @_dense_body(%arg0: i32, %arg1: memref<4000x8xf32, #tpu.memory_space<vmem>>, %arg2: memref<4000x128xf32, #tpu.memory_space<vmem>>, %arg3: memref<1280x128xf32, #tpu.memory_space<vmem>>, %arg4: memref<1x16xf32, #tpu.memory_space<vmem>>, %arg5: memref<1x16xf32, #tpu.memory_space<vmem>>, %arg6: memref<128x16xf32, #tpu.memory_space<vmem>>, %arg7: memref<1x128xf32, #tpu.memory_space<vmem>>, %arg8: memref<1x128xf32, #tpu.memory_space<vmem>>, %arg9: memref<128x128xbf16, #tpu.memory_space<vmem>>, %arg10: memref<1x128xf32, #tpu.memory_space<vmem>>, %arg11: memref<128x256xbf16, #tpu.memory_space<vmem>>, %arg12: memref<1x256xf32, #tpu.memory_space<vmem>>, %arg13: memref<16x256xf32, #tpu.memory_space<vmem>>, %arg14: memref<256x16xf32, #tpu.memory_space<vmem>>, %arg15: memref<4000x128xf32, #tpu.memory_space<vmem>>, %arg16: memref<2x16xf32, #tpu.memory_space<vmem>>) attributes {dimension_semantics = [#tpu.dimension_semantics<arbitrary>], iteration_bounds = array<i64: 5>, scalar_prefetch = 0 : i64, scratch_operands = 1 : i64, tpu.core_type = #tpu.core_type<tc>, window_params = [{transform_indices = @transform_0, window_bounds = array<i64: 4000, 8>}, {transform_indices = @transform_1, window_bounds = array<i64: 4000, 128>}, {pipeline_mode = #tpu.pipeline_mode<synchronous>, transform_indices = @transform_2, window_bounds = array<i64: 1280, 128>}, {pipeline_mode = #tpu.pipeline_mode<synchronous>, transform_indices = @transform_3, window_bounds = array<i64: 1, 16>}, {pipeline_mode = #tpu.pipeline_mode<synchronous>, transform_indices = @transform_4, window_bounds = array<i64: 1, 16>}, {pipeline_mode = #tpu.pipeline_mode<synchronous>, transform_indices = @transform_5, window_bounds = array<i64: 128, 16>}, {pipeline_mode = #tpu.pipeline_mode<synchronous>, transform_indices = @transform_6, window_bounds = array<i64: 1, 128>}, {pipeline_mode = #tpu.pipeline_mode<synchronous>, transform_indices = @transform_7, window_bounds = array<i64: 1, 128>}, {pipeline_mode = #tpu.pipeline_mode<synchronous>, transform_indices = @transform_8, window_bounds = array<i64: 128, 128>}, {pipeline_mode = #tpu.pipeline_mode<synchronous>, transform_indices = @transform_9, window_bounds = array<i64: 1, 128>}, {pipeline_mode = #tpu.pipeline_mode<synchronous>, transform_indices = @transform_10, window_bounds = array<i64: 128, 256>}, {pipeline_mode = #tpu.pipeline_mode<synchronous>, transform_indices = @transform_11, window_bounds = array<i64: 1, 256>}, {pipeline_mode = #tpu.pipeline_mode<synchronous>, transform_indices = @transform_12, window_bounds = array<i64: 16, 256>}, {pipeline_mode = #tpu.pipeline_mode<synchronous>, transform_indices = @transform_13, window_bounds = array<i64: 256, 16>}, {transform_indices = @transform_14, window_bounds = array<i64: 4000, 128>}]} {
    %eq3A = arith.constant 0 : i32
    %eq3A_0 = arith.cmpi eq, %arg0, %eq3A : i32
    %convert_element_type3A = arith.extui %eq3A_0 : i1 to i32
    %cond3A = arith.constant 0 : i32
    %cond3A_1 = arith.cmpi ne, %convert_element_type3A, %cond3A : i32
    scf.if %cond3A_1 {
      %get3A_506 = arith.constant 0 : index
      %get3A_507 = arith.constant 0 : index
      %get3A_508 = vector.load %arg3[%get3A_506, %get3A_507] : memref<1280x128xf32, #tpu.memory_space<vmem>>, vector<1280x128xf32>
      %reduce_sum3A = arith.constant dense<0.000000e+00> : vector<128xf32>
      %reduce_sum3A_509 = vector.multi_reduction <add>, %get3A_508, %reduce_sum3A [0] : vector<1280x128xf32> to vector<128xf32>
      %broadcast_in_dim3A = vector.shape_cast %reduce_sum3A_509 : vector<128xf32> to vector<1x128xf32>
      %get3A_510 = arith.constant 0 : index
      %get3A_511 = arith.constant 0 : index
      %get3A_512 = vector.load %arg6[%get3A_510, %get3A_511] : memref<128x16xf32, #tpu.memory_space<vmem>>, vector<128x16xf32>
      %dot_general3A_513 = arith.constant dense<0.000000e+00> : vector<1x16xf32>
      %dot_general3A_514 = tpu.matmul %broadcast_in_dim3A, %get3A_512, %dot_general3A_513 {dimension_numbers = #tpu.dot_dimension_numbers<[1], [0], [0], [1], [0, 0, 1, 1], [], []>, transpose_lhs_hint = false} : vector<1x128xf32>, vector<128x16xf32>, vector<1x16xf32> -> vector<1x16xf32>
      %mul3A_515 = arith.mulf %get3A_508, %get3A_508 : vector<1280x128xf32>
      %reduce_sum3A_516 = arith.constant dense<0.000000e+00> : vector<128xf32>
      %reduce_sum3A_517 = vector.multi_reduction <add>, %mul3A_515, %reduce_sum3A_516 [0] : vector<1280x128xf32> to vector<128xf32>
      %broadcast_in_dim3A_518 = vector.shape_cast %reduce_sum3A_517 : vector<128xf32> to vector<1x128xf32>
      %get3A_519 = arith.constant 0 : index
      %get3A_520 = arith.constant 0 : index
      %get3A_521 = vector.load %arg6[%get3A_519, %get3A_520] : memref<128x16xf32, #tpu.memory_space<vmem>>, vector<128x16xf32>
      %dot_general3A_522 = arith.constant dense<0.000000e+00> : vector<1x16xf32>
      %dot_general3A_523 = tpu.matmul %broadcast_in_dim3A_518, %get3A_521, %dot_general3A_522 {dimension_numbers = #tpu.dot_dimension_numbers<[1], [0], [0], [1], [0, 0, 1, 1], [], []>, transpose_lhs_hint = false} : vector<1x128xf32>, vector<128x16xf32>, vector<1x16xf32> -> vector<1x16xf32>
      %div3A = arith.constant 1.000000e+04 : f32
      %div3A_524 = vector.broadcast %div3A : f32 to vector<1x16xf32>
      %div3A_525 = arith.divf %dot_general3A_514, %div3A_524 : vector<1x16xf32>
      %div3A_526 = arith.constant 1.000000e+04 : f32
      %div3A_527 = vector.broadcast %div3A_526 : f32 to vector<1x16xf32>
      %div3A_528 = arith.divf %dot_general3A_523, %div3A_527 : vector<1x16xf32>
      %mul3A_529 = arith.mulf %div3A_525, %div3A_525 : vector<1x16xf32>
      %sub3A = arith.subf %div3A_528, %mul3A_529 : vector<1x16xf32>
      %get3A_530 = arith.constant 0 : index
      %get3A_531 = arith.constant 0 : index
      %get3A_532 = vector.load %arg4[%get3A_530, %get3A_531] : memref<1x16xf32, #tpu.memory_space<vmem>>, vector<1x16xf32>
      %add3A_533 = arith.constant 9.99999974E-6 : f32
      %add3A_534 = vector.broadcast %add3A_533 : f32 to vector<1x16xf32>
      %add3A_535 = arith.addf %sub3A, %add3A_534 : vector<1x16xf32>
      %sqrt3A = math.sqrt %add3A_535 : vector<1x16xf32>
      %div3A_536 = arith.divf %get3A_532, %sqrt3A : vector<1x16xf32>
      %get3A_537 = arith.constant 0 : index
      %get3A_538 = arith.constant 0 : index
      %get3A_539 = vector.load %arg5[%get3A_537, %get3A_538] : memref<1x16xf32, #tpu.memory_space<vmem>>, vector<1x16xf32>
      %mul3A_540 = arith.mulf %div3A_525, %div3A_536 : vector<1x16xf32>
      %sub3A_541 = arith.subf %get3A_539, %mul3A_540 : vector<1x16xf32>
      %concatenate3A = tpu.concatenate %div3A_536, %sub3A_541 in 0 : vector<1x16xf32>, vector<1x16xf32> -> vector<2x16xf32>
      %swap3A_542 = arith.constant 0 : index
      %swap3A_543 = arith.constant 0 : index
      %swap3A_544 = vector.load %arg16[%swap3A_542, %swap3A_543] : memref<2x16xf32, #tpu.memory_space<vmem>>, vector<2x16xf32>
      tpu.vector_store %arg16[%swap3A_542, %swap3A_543], %concatenate3A {strides = array<i32>} : memref<2x16xf32, #tpu.memory_space<vmem>>, vector<2x16xf32>,
    } else {
    }
    %get3A = arith.constant 0 : index
    %get3A_2 = arith.constant 0 : index
    %get3A_3 = vector.load %arg16[%get3A, %get3A_2] : memref<2x16xf32, #tpu.memory_space<vmem>>, vector<1x16xf32>
    %get3A_4 = arith.constant 1 : index
    %get3A_5 = arith.constant 0 : index
    %get3A_6 = vector.load %arg16[%get3A_4, %get3A_5] : memref<2x16xf32, #tpu.memory_space<vmem>>, vector<1x16xf32>
    %get3A_7 = arith.constant 0 : index
    %get3A_8 = arith.constant 0 : index
    %get3A_9 = vector.load %arg1[%get3A_7, %get3A_8] : memref<4000x8xf32, #tpu.memory_space<vmem>>, vector<4000x1xf32>
    %get3A_10 = arith.constant 0 : index
    %get3A_11 = arith.constant 0 : index
    %get3A_12 = vector.load %arg7[%get3A_10, %get3A_11] : memref<1x128xf32, #tpu.memory_space<vmem>>, vector<1x128xf32>
    %mul3A = vector.broadcast %get3A_9 : vector<4000x1xf32> to vector<4000x128xf32>
    %mul3A_13 = vector.broadcast %get3A_12 : vector<1x128xf32> to vector<4000x128xf32>
    %mul3A_14 = arith.mulf %mul3A, %mul3A_13 : vector<4000x128xf32>
    %get3A_15 = arith.constant 0 : index
    %get3A_16 = arith.constant 0 : index
    %get3A_17 = vector.load %arg8[%get3A_15, %get3A_16] : memref<1x128xf32, #tpu.memory_space<vmem>>, vector<1x128xf32>
    %add3A = vector.broadcast %get3A_17 : vector<1x128xf32> to vector<4000x128xf32>
    %add3A_18 = arith.addf %mul3A_14, %add3A : vector<4000x128xf32>
    %max3A = arith.constant 0.000000e+00 : f32
    %max3A_19 = vector.broadcast %max3A : f32 to vector<4000x128xf32>
    %max3A_20 = arith.maximumf %add3A_18, %max3A_19 : vector<4000x128xf32>
    %convert_element_type3A_21 = arith.truncf %max3A_20 : vector<4000x128xf32> to vector<4000x128xbf16>
    %get3A_22 = arith.constant 0 : index
    %get3A_23 = arith.constant 0 : index
    %get3A_24 = vector.load %arg9[%get3A_22, %get3A_23] : memref<128x128xbf16, #tpu.memory_space<vmem>>, vector<128x128xbf16>
    %dot_general3A = arith.constant dense<0.000000e+00> : vector<4000x128xf32>
    %dot_general3A_25 = tpu.matmul %convert_element_type3A_21, %get3A_24, %dot_general3A {dimension_numbers = #tpu.dot_dimension_numbers<[1], [0], [0], [1], [0, 0, 1, 1], [], []>, transpose_lhs_hint = false} : vector<4000x128xbf16>, vector<128x128xbf16>, vector<4000x128xf32> -> vector<4000x128xf32>
    %get3A_26 = arith.constant 0 : index
    %get3A_27 = arith.constant 0 : index
    %get3A_28 = vector.load %arg10[%get3A_26, %get3A_27] : memref<1x128xf32, #tpu.memory_space<vmem>>, vector<1x128xf32>
    %add3A_29 = vector.broadcast %get3A_28 : vector<1x128xf32> to vector<4000x128xf32>
    %add3A_30 = arith.addf %dot_general3A_25, %add3A_29 : vector<4000x128xf32>
    %max3A_31 = arith.constant 0.000000e+00 : f32
    %max3A_32 = vector.broadcast %max3A_31 : f32 to vector<4000x128xf32>
    %max3A_33 = arith.maximumf %add3A_30, %max3A_32 : vector<4000x128xf32>
    %convert_element_type3A_34 = arith.truncf %max3A_33 : vector<4000x128xf32> to vector<4000x128xbf16>
    %get3A_35 = arith.constant 0 : index
    %get3A_36 = arith.constant 0 : index
    %get3A_37 = vector.load %arg11[%get3A_35, %get3A_36] : memref<128x256xbf16, #tpu.memory_space<vmem>>, vector<128x256xbf16>
    %dot_general3A_38 = arith.constant dense<0.000000e+00> : vector<4000x256xf32>
    %dot_general3A_39 = tpu.matmul %convert_element_type3A_34, %get3A_37, %dot_general3A_38 {dimension_numbers = #tpu.dot_dimension_numbers<[1], [0], [0], [1], [0, 0, 1, 1], [], []>, transpose_lhs_hint = false} : vector<4000x128xbf16>, vector<128x256xbf16>, vector<4000x256xf32> -> vector<4000x256xf32>
    %get3A_40 = arith.constant 0 : index
    %get3A_41 = arith.constant 0 : index
    %get3A_42 = vector.load %arg12[%get3A_40, %get3A_41] : memref<1x256xf32, #tpu.memory_space<vmem>>, vector<1x256xf32>
    %add3A_43 = vector.broadcast %get3A_42 : vector<1x256xf32> to vector<4000x256xf32>
    %add3A_44 = arith.addf %dot_general3A_39, %add3A_43 : vector<4000x256xf32>
    %get3A_45 = arith.constant 0 : index
    %get3A_46 = arith.constant 0 : index
    %get3A_47 = vector.load %arg2[%get3A_45, %get3A_46] : memref<4000x128xf32, #tpu.memory_space<vmem>>, vector<4000x16xf32>
    %mul3A_48 = vector.broadcast %get3A_3 : vector<1x16xf32> to vector<4000x16xf32>
    %mul3A_49 = arith.mulf %get3A_47, %mul3A_48 : vector<4000x16xf32>
    %add3A_50 = vector.broadcast %get3A_6 : vector<1x16xf32> to vector<4000x16xf32>
    %add3A_51 = arith.addf %mul3A_49, %add3A_50 : vector<4000x16xf32>
    %get3A_52 = arith.constant 0 : index
    %get3A_53 = arith.constant 0 : index
    %get3A_54 = vector.load %arg13[%get3A_52, %get3A_53] : memref<16x256xf32, #tpu.memory_space<vmem>>, vector<16x256xf32>
    %dot_general3A_55 = arith.constant dense<0.000000e+00> : vector<4000x256xf32>
    %dot_general3A_56 = tpu.matmul %add3A_51, %get3A_54, %dot_general3A_55 {dimension_numbers = #tpu.dot_dimension_numbers<[1], [0], [0], [1], [0, 0, 1, 1], [], []>, transpose_lhs_hint = false} : vector<4000x16xf32>, vector<16x256xf32>, vector<4000x256xf32> -> vector<4000x256xf32>
    %mul3A_57 = arith.mulf %dot_general3A_56, %add3A_44 : vector<4000x256xf32>
    %get3A_58 = arith.constant 0 : index
    %get3A_59 = arith.constant 0 : index
    %get3A_60 = vector.load %arg14[%get3A_58, %get3A_59] : memref<256x16xf32, #tpu.memory_space<vmem>>, vector<256x16xf32>
    %dot_general3A_61 = arith.constant dense<0.000000e+00> : vector<4000x16xf32>
    %dot_general3A_62 = tpu.matmul %mul3A_57, %get3A_60, %dot_general3A_61 {dimension_numbers = #tpu.dot_dimension_numbers<[1], [0], [0], [1], [0, 0, 1, 1], [], []>, transpose_lhs_hint = false} : vector<4000x256xf32>, vector<256x16xf32>, vector<4000x16xf32> -> vector<4000x16xf32>
    %swap3A = arith.constant 0 : index
    %swap3A_63 = arith.constant 0 : index
    %swap3A_64 = vector.load %arg15[%swap3A, %swap3A_63] : memref<4000x128xf32, #tpu.memory_space<vmem>>, vector<4000x16xf32>
    tpu.vector_store %arg15[%swap3A, %swap3A_63], %dot_general3A_62 {strides = array<i32>} : memref<4000x128xf32, #tpu.memory_space<vmem>>, vector<4000x16xf32>,
    %get3A_65 = arith.constant 0 : index
    %get3A_66 = arith.constant 1 : index
    %get3A_67 = vector.load %arg1[%get3A_65, %get3A_66] : memref<4000x8xf32, #tpu.memory_space<vmem>>, vector<4000x1xf32>
    %get3A_68 = arith.constant 0 : index
    %get3A_69 = arith.constant 0 : index
    %get3A_70 = vector.load %arg7[%get3A_68, %get3A_69] : memref<1x128xf32, #tpu.memory_space<vmem>>, vector<1x128xf32>
    %mul3A_71 = vector.broadcast %get3A_67 : vector<4000x1xf32> to vector<4000x128xf32>
    %mul3A_72 = vector.broadcast %get3A_70 : vector<1x128xf32> to vector<4000x128xf32>
    %mul3A_73 = arith.mulf %mul3A_71, %mul3A_72 : vector<4000x128xf32>
    %get3A_74 = arith.constant 0 : index
    %get3A_75 = arith.constant 0 : index
    %get3A_76 = vector.load %arg8[%get3A_74, %get3A_75] : memref<1x128xf32, #tpu.memory_space<vmem>>, vector<1x128xf32>
    %add3A_77 = vector.broadcast %get3A_76 : vector<1x128xf32> to vector<4000x128xf32>
    %add3A_78 = arith.addf %mul3A_73, %add3A_77 : vector<4000x128xf32>
    %max3A_79 = arith.constant 0.000000e+00 : f32
    %max3A_80 = vector.broadcast %max3A_79 : f32 to vector<4000x128xf32>
    %max3A_81 = arith.maximumf %add3A_78, %max3A_80 : vector<4000x128xf32>
    %convert_element_type3A_82 = arith.truncf %max3A_81 : vector<4000x128xf32> to vector<4000x128xbf16>
    %get3A_83 = arith.constant 0 : index
    %get3A_84 = arith.constant 0 : index
    %get3A_85 = vector.load %arg9[%get3A_83, %get3A_84] : memref<128x128xbf16, #tpu.memory_space<vmem>>, vector<128x128xbf16>
    %dot_general3A_86 = arith.constant dense<0.000000e+00> : vector<4000x128xf32>
    %dot_general3A_87 = tpu.matmul %convert_element_type3A_82, %get3A_85, %dot_general3A_86 {dimension_numbers = #tpu.dot_dimension_numbers<[1], [0], [0], [1], [0, 0, 1, 1], [], []>, transpose_lhs_hint = false} : vector<4000x128xbf16>, vector<128x128xbf16>, vector<4000x128xf32> -> vector<4000x128xf32>
    %get3A_88 = arith.constant 0 : index
    %get3A_89 = arith.constant 0 : index
    %get3A_90 = vector.load %arg10[%get3A_88, %get3A_89] : memref<1x128xf32, #tpu.memory_space<vmem>>, vector<1x128xf32>
    %add3A_91 = vector.broadcast %get3A_90 : vector<1x128xf32> to vector<4000x128xf32>
    %add3A_92 = arith.addf %dot_general3A_87, %add3A_91 : vector<4000x128xf32>
    %max3A_93 = arith.constant 0.000000e+00 : f32
    %max3A_94 = vector.broadcast %max3A_93 : f32 to vector<4000x128xf32>
    %max3A_95 = arith.maximumf %add3A_92, %max3A_94 : vector<4000x128xf32>
    %convert_element_type3A_96 = arith.truncf %max3A_95 : vector<4000x128xf32> to vector<4000x128xbf16>
    %get3A_97 = arith.constant 0 : index
    %get3A_98 = arith.constant 0 : index
    %get3A_99 = vector.load %arg11[%get3A_97, %get3A_98] : memref<128x256xbf16, #tpu.memory_space<vmem>>, vector<128x256xbf16>
    %dot_general3A_100 = arith.constant dense<0.000000e+00> : vector<4000x256xf32>
    %dot_general3A_101 = tpu.matmul %convert_element_type3A_96, %get3A_99, %dot_general3A_100 {dimension_numbers = #tpu.dot_dimension_numbers<[1], [0], [0], [1], [0, 0, 1, 1], [], []>, transpose_lhs_hint = false} : vector<4000x128xbf16>, vector<128x256xbf16>, vector<4000x256xf32> -> vector<4000x256xf32>
    %get3A_102 = arith.constant 0 : index
    %get3A_103 = arith.constant 0 : index
    %get3A_104 = vector.load %arg12[%get3A_102, %get3A_103] : memref<1x256xf32, #tpu.memory_space<vmem>>, vector<1x256xf32>
    %add3A_105 = vector.broadcast %get3A_104 : vector<1x256xf32> to vector<4000x256xf32>
    %add3A_106 = arith.addf %dot_general3A_101, %add3A_105 : vector<4000x256xf32>
    %get3A_107 = arith.constant 0 : index
    %get3A_108 = arith.constant 16 : index
    %get3A_109 = vector.load %arg2[%get3A_107, %get3A_108] : memref<4000x128xf32, #tpu.memory_space<vmem>>, vector<4000x16xf32>
    %mul3A_110 = vector.broadcast %get3A_3 : vector<1x16xf32> to vector<4000x16xf32>
    %mul3A_111 = arith.mulf %get3A_109, %mul3A_110 : vector<4000x16xf32>
    %add3A_112 = vector.broadcast %get3A_6 : vector<1x16xf32> to vector<4000x16xf32>
    %add3A_113 = arith.addf %mul3A_111, %add3A_112 : vector<4000x16xf32>
    %get3A_114 = arith.constant 0 : index
    %get3A_115 = arith.constant 0 : index
    %get3A_116 = vector.load %arg13[%get3A_114, %get3A_115] : memref<16x256xf32, #tpu.memory_space<vmem>>, vector<16x256xf32>
    %dot_general3A_117 = arith.constant dense<0.000000e+00> : vector<4000x256xf32>
    %dot_general3A_118 = tpu.matmul %add3A_113, %get3A_116, %dot_general3A_117 {dimension_numbers = #tpu.dot_dimension_numbers<[1], [0], [0], [1], [0, 0, 1, 1], [], []>, transpose_lhs_hint = false} : vector<4000x16xf32>, vector<16x256xf32>, vector<4000x256xf32> -> vector<4000x256xf32>
    %mul3A_119 = arith.mulf %dot_general3A_118, %add3A_106 : vector<4000x256xf32>
    %get3A_120 = arith.constant 0 : index
    %get3A_121 = arith.constant 0 : index
    %get3A_122 = vector.load %arg14[%get3A_120, %get3A_121] : memref<256x16xf32, #tpu.memory_space<vmem>>, vector<256x16xf32>
    %dot_general3A_123 = arith.constant dense<0.000000e+00> : vector<4000x16xf32>
    %dot_general3A_124 = tpu.matmul %mul3A_119, %get3A_122, %dot_general3A_123 {dimension_numbers = #tpu.dot_dimension_numbers<[1], [0], [0], [1], [0, 0, 1, 1], [], []>, transpose_lhs_hint = false} : vector<4000x256xf32>, vector<256x16xf32>, vector<4000x16xf32> -> vector<4000x16xf32>
    %swap3A_125 = arith.constant 0 : index
    %swap3A_126 = arith.constant 16 : index
    %swap3A_127 = vector.load %arg15[%swap3A_125, %swap3A_126] : memref<4000x128xf32, #tpu.memory_space<vmem>>, vector<4000x16xf32>
    tpu.vector_store %arg15[%swap3A_125, %swap3A_126], %dot_general3A_124 {strides = array<i32>} : memref<4000x128xf32, #tpu.memory_space<vmem>>, vector<4000x16xf32>,
    %get3A_128 = arith.constant 0 : index
    %get3A_129 = arith.constant 2 : index
    %get3A_130 = vector.load %arg1[%get3A_128, %get3A_129] : memref<4000x8xf32, #tpu.memory_space<vmem>>, vector<4000x1xf32>
    %get3A_131 = arith.constant 0 : index
    %get3A_132 = arith.constant 0 : index
    %get3A_133 = vector.load %arg7[%get3A_131, %get3A_132] : memref<1x128xf32, #tpu.memory_space<vmem>>, vector<1x128xf32>
    %mul3A_134 = vector.broadcast %get3A_130 : vector<4000x1xf32> to vector<4000x128xf32>
    %mul3A_135 = vector.broadcast %get3A_133 : vector<1x128xf32> to vector<4000x128xf32>
    %mul3A_136 = arith.mulf %mul3A_134, %mul3A_135 : vector<4000x128xf32>
    %get3A_137 = arith.constant 0 : index
    %get3A_138 = arith.constant 0 : index
    %get3A_139 = vector.load %arg8[%get3A_137, %get3A_138] : memref<1x128xf32, #tpu.memory_space<vmem>>, vector<1x128xf32>
    %add3A_140 = vector.broadcast %get3A_139 : vector<1x128xf32> to vector<4000x128xf32>
    %add3A_141 = arith.addf %mul3A_136, %add3A_140 : vector<4000x128xf32>
    %max3A_142 = arith.constant 0.000000e+00 : f32
    %max3A_143 = vector.broadcast %max3A_142 : f32 to vector<4000x128xf32>
    %max3A_144 = arith.maximumf %add3A_141, %max3A_143 : vector<4000x128xf32>
    %convert_element_type3A_145 = arith.truncf %max3A_144 : vector<4000x128xf32> to vector<4000x128xbf16>
    %get3A_146 = arith.constant 0 : index
    %get3A_147 = arith.constant 0 : index
    %get3A_148 = vector.load %arg9[%get3A_146, %get3A_147] : memref<128x128xbf16, #tpu.memory_space<vmem>>, vector<128x128xbf16>
    %dot_general3A_149 = arith.constant dense<0.000000e+00> : vector<4000x128xf32>
    %dot_general3A_150 = tpu.matmul %convert_element_type3A_145, %get3A_148, %dot_general3A_149 {dimension_numbers = #tpu.dot_dimension_numbers<[1], [0], [0], [1], [0, 0, 1, 1], [], []>, transpose_lhs_hint = false} : vector<4000x128xbf16>, vector<128x128xbf16>, vector<4000x128xf32> -> vector<4000x128xf32>
    %get3A_151 = arith.constant 0 : index
    %get3A_152 = arith.constant 0 : index
    %get3A_153 = vector.load %arg10[%get3A_151, %get3A_152] : memref<1x128xf32, #tpu.memory_space<vmem>>, vector<1x128xf32>
    %add3A_154 = vector.broadcast %get3A_153 : vector<1x128xf32> to vector<4000x128xf32>
    %add3A_155 = arith.addf %dot_general3A_150, %add3A_154 : vector<4000x128xf32>
    %max3A_156 = arith.constant 0.000000e+00 : f32
    %max3A_157 = vector.broadcast %max3A_156 : f32 to vector<4000x128xf32>
    %max3A_158 = arith.maximumf %add3A_155, %max3A_157 : vector<4000x128xf32>
    %convert_element_type3A_159 = arith.truncf %max3A_158 : vector<4000x128xf32> to vector<4000x128xbf16>
    %get3A_160 = arith.constant 0 : index
    %get3A_161 = arith.constant 0 : index
    %get3A_162 = vector.load %arg11[%get3A_160, %get3A_161] : memref<128x256xbf16, #tpu.memory_space<vmem>>, vector<128x256xbf16>
    %dot_general3A_163 = arith.constant dense<0.000000e+00> : vector<4000x256xf32>
    %dot_general3A_164 = tpu.matmul %convert_element_type3A_159, %get3A_162, %dot_general3A_163 {dimension_numbers = #tpu.dot_dimension_numbers<[1], [0], [0], [1], [0, 0, 1, 1], [], []>, transpose_lhs_hint = false} : vector<4000x128xbf16>, vector<128x256xbf16>, vector<4000x256xf32> -> vector<4000x256xf32>
    %get3A_165 = arith.constant 0 : index
    %get3A_166 = arith.constant 0 : index
    %get3A_167 = vector.load %arg12[%get3A_165, %get3A_166] : memref<1x256xf32, #tpu.memory_space<vmem>>, vector<1x256xf32>
    %add3A_168 = vector.broadcast %get3A_167 : vector<1x256xf32> to vector<4000x256xf32>
    %add3A_169 = arith.addf %dot_general3A_164, %add3A_168 : vector<4000x256xf32>
    %get3A_170 = arith.constant 0 : index
    %get3A_171 = arith.constant 32 : index
    %get3A_172 = vector.load %arg2[%get3A_170, %get3A_171] : memref<4000x128xf32, #tpu.memory_space<vmem>>, vector<4000x16xf32>
    %mul3A_173 = vector.broadcast %get3A_3 : vector<1x16xf32> to vector<4000x16xf32>
    %mul3A_174 = arith.mulf %get3A_172, %mul3A_173 : vector<4000x16xf32>
    %add3A_175 = vector.broadcast %get3A_6 : vector<1x16xf32> to vector<4000x16xf32>
    %add3A_176 = arith.addf %mul3A_174, %add3A_175 : vector<4000x16xf32>
    %get3A_177 = arith.constant 0 : index
    %get3A_178 = arith.constant 0 : index
    %get3A_179 = vector.load %arg13[%get3A_177, %get3A_178] : memref<16x256xf32, #tpu.memory_space<vmem>>, vector<16x256xf32>
    %dot_general3A_180 = arith.constant dense<0.000000e+00> : vector<4000x256xf32>
    %dot_general3A_181 = tpu.matmul %add3A_176, %get3A_179, %dot_general3A_180 {dimension_numbers = #tpu.dot_dimension_numbers<[1], [0], [0], [1], [0, 0, 1, 1], [], []>, transpose_lhs_hint = false} : vector<4000x16xf32>, vector<16x256xf32>, vector<4000x256xf32> -> vector<4000x256xf32>
    %mul3A_182 = arith.mulf %dot_general3A_181, %add3A_169 : vector<4000x256xf32>
    %get3A_183 = arith.constant 0 : index
    %get3A_184 = arith.constant 0 : index
    %get3A_185 = vector.load %arg14[%get3A_183, %get3A_184] : memref<256x16xf32, #tpu.memory_space<vmem>>, vector<256x16xf32>
    %dot_general3A_186 = arith.constant dense<0.000000e+00> : vector<4000x16xf32>
    %dot_general3A_187 = tpu.matmul %mul3A_182, %get3A_185, %dot_general3A_186 {dimension_numbers = #tpu.dot_dimension_numbers<[1], [0], [0], [1], [0, 0, 1, 1], [], []>, transpose_lhs_hint = false} : vector<4000x256xf32>, vector<256x16xf32>, vector<4000x16xf32> -> vector<4000x16xf32>
    %swap3A_188 = arith.constant 0 : index
    %swap3A_189 = arith.constant 32 : index
    %swap3A_190 = vector.load %arg15[%swap3A_188, %swap3A_189] : memref<4000x128xf32, #tpu.memory_space<vmem>>, vector<4000x16xf32>
    tpu.vector_store %arg15[%swap3A_188, %swap3A_189], %dot_general3A_187 {strides = array<i32>} : memref<4000x128xf32, #tpu.memory_space<vmem>>, vector<4000x16xf32>,
    %get3A_191 = arith.constant 0 : index
    %get3A_192 = arith.constant 3 : index
    %get3A_193 = vector.load %arg1[%get3A_191, %get3A_192] : memref<4000x8xf32, #tpu.memory_space<vmem>>, vector<4000x1xf32>
    %get3A_194 = arith.constant 0 : index
    %get3A_195 = arith.constant 0 : index
    %get3A_196 = vector.load %arg7[%get3A_194, %get3A_195] : memref<1x128xf32, #tpu.memory_space<vmem>>, vector<1x128xf32>
    %mul3A_197 = vector.broadcast %get3A_193 : vector<4000x1xf32> to vector<4000x128xf32>
    %mul3A_198 = vector.broadcast %get3A_196 : vector<1x128xf32> to vector<4000x128xf32>
    %mul3A_199 = arith.mulf %mul3A_197, %mul3A_198 : vector<4000x128xf32>
    %get3A_200 = arith.constant 0 : index
    %get3A_201 = arith.constant 0 : index
    %get3A_202 = vector.load %arg8[%get3A_200, %get3A_201] : memref<1x128xf32, #tpu.memory_space<vmem>>, vector<1x128xf32>
    %add3A_203 = vector.broadcast %get3A_202 : vector<1x128xf32> to vector<4000x128xf32>
    %add3A_204 = arith.addf %mul3A_199, %add3A_203 : vector<4000x128xf32>
    %max3A_205 = arith.constant 0.000000e+00 : f32
    %max3A_206 = vector.broadcast %max3A_205 : f32 to vector<4000x128xf32>
    %max3A_207 = arith.maximumf %add3A_204, %max3A_206 : vector<4000x128xf32>
    %convert_element_type3A_208 = arith.truncf %max3A_207 : vector<4000x128xf32> to vector<4000x128xbf16>
    %get3A_209 = arith.constant 0 : index
    %get3A_210 = arith.constant 0 : index
    %get3A_211 = vector.load %arg9[%get3A_209, %get3A_210] : memref<128x128xbf16, #tpu.memory_space<vmem>>, vector<128x128xbf16>
    %dot_general3A_212 = arith.constant dense<0.000000e+00> : vector<4000x128xf32>
    %dot_general3A_213 = tpu.matmul %convert_element_type3A_208, %get3A_211, %dot_general3A_212 {dimension_numbers = #tpu.dot_dimension_numbers<[1], [0], [0], [1], [0, 0, 1, 1], [], []>, transpose_lhs_hint = false} : vector<4000x128xbf16>, vector<128x128xbf16>, vector<4000x128xf32> -> vector<4000x128xf32>
    %get3A_214 = arith.constant 0 : index
    %get3A_215 = arith.constant 0 : index
    %get3A_216 = vector.load %arg10[%get3A_214, %get3A_215] : memref<1x128xf32, #tpu.memory_space<vmem>>, vector<1x128xf32>
    %add3A_217 = vector.broadcast %get3A_216 : vector<1x128xf32> to vector<4000x128xf32>
    %add3A_218 = arith.addf %dot_general3A_213, %add3A_217 : vector<4000x128xf32>
    %max3A_219 = arith.constant 0.000000e+00 : f32
    %max3A_220 = vector.broadcast %max3A_219 : f32 to vector<4000x128xf32>
    %max3A_221 = arith.maximumf %add3A_218, %max3A_220 : vector<4000x128xf32>
    %convert_element_type3A_222 = arith.truncf %max3A_221 : vector<4000x128xf32> to vector<4000x128xbf16>
    %get3A_223 = arith.constant 0 : index
    %get3A_224 = arith.constant 0 : index
    %get3A_225 = vector.load %arg11[%get3A_223, %get3A_224] : memref<128x256xbf16, #tpu.memory_space<vmem>>, vector<128x256xbf16>
    %dot_general3A_226 = arith.constant dense<0.000000e+00> : vector<4000x256xf32>
    %dot_general3A_227 = tpu.matmul %convert_element_type3A_222, %get3A_225, %dot_general3A_226 {dimension_numbers = #tpu.dot_dimension_numbers<[1], [0], [0], [1], [0, 0, 1, 1], [], []>, transpose_lhs_hint = false} : vector<4000x128xbf16>, vector<128x256xbf16>, vector<4000x256xf32> -> vector<4000x256xf32>
    %get3A_228 = arith.constant 0 : index
    %get3A_229 = arith.constant 0 : index
    %get3A_230 = vector.load %arg12[%get3A_228, %get3A_229] : memref<1x256xf32, #tpu.memory_space<vmem>>, vector<1x256xf32>
    %add3A_231 = vector.broadcast %get3A_230 : vector<1x256xf32> to vector<4000x256xf32>
    %add3A_232 = arith.addf %dot_general3A_227, %add3A_231 : vector<4000x256xf32>
    %get3A_233 = arith.constant 0 : index
    %get3A_234 = arith.constant 48 : index
    %get3A_235 = vector.load %arg2[%get3A_233, %get3A_234] : memref<4000x128xf32, #tpu.memory_space<vmem>>, vector<4000x16xf32>
    %mul3A_236 = vector.broadcast %get3A_3 : vector<1x16xf32> to vector<4000x16xf32>
    %mul3A_237 = arith.mulf %get3A_235, %mul3A_236 : vector<4000x16xf32>
    %add3A_238 = vector.broadcast %get3A_6 : vector<1x16xf32> to vector<4000x16xf32>
    %add3A_239 = arith.addf %mul3A_237, %add3A_238 : vector<4000x16xf32>
    %get3A_240 = arith.constant 0 : index
    %get3A_241 = arith.constant 0 : index
    %get3A_242 = vector.load %arg13[%get3A_240, %get3A_241] : memref<16x256xf32, #tpu.memory_space<vmem>>, vector<16x256xf32>
    %dot_general3A_243 = arith.constant dense<0.000000e+00> : vector<4000x256xf32>
    %dot_general3A_244 = tpu.matmul %add3A_239, %get3A_242, %dot_general3A_243 {dimension_numbers = #tpu.dot_dimension_numbers<[1], [0], [0], [1], [0, 0, 1, 1], [], []>, transpose_lhs_hint = false} : vector<4000x16xf32>, vector<16x256xf32>, vector<4000x256xf32> -> vector<4000x256xf32>
    %mul3A_245 = arith.mulf %dot_general3A_244, %add3A_232 : vector<4000x256xf32>
    %get3A_246 = arith.constant 0 : index
    %get3A_247 = arith.constant 0 : index
    %get3A_248 = vector.load %arg14[%get3A_246, %get3A_247] : memref<256x16xf32, #tpu.memory_space<vmem>>, vector<256x16xf32>
    %dot_general3A_249 = arith.constant dense<0.000000e+00> : vector<4000x16xf32>
    %dot_general3A_250 = tpu.matmul %mul3A_245, %get3A_248, %dot_general3A_249 {dimension_numbers = #tpu.dot_dimension_numbers<[1], [0], [0], [1], [0, 0, 1, 1], [], []>, transpose_lhs_hint = false} : vector<4000x256xf32>, vector<256x16xf32>, vector<4000x16xf32> -> vector<4000x16xf32>
    %swap3A_251 = arith.constant 0 : index
    %swap3A_252 = arith.constant 48 : index
    %swap3A_253 = vector.load %arg15[%swap3A_251, %swap3A_252] : memref<4000x128xf32, #tpu.memory_space<vmem>>, vector<4000x16xf32>
    tpu.vector_store %arg15[%swap3A_251, %swap3A_252], %dot_general3A_250 {strides = array<i32>} : memref<4000x128xf32, #tpu.memory_space<vmem>>, vector<4000x16xf32>,
    %get3A_254 = arith.constant 0 : index
    %get3A_255 = arith.constant 4 : index
    %get3A_256 = vector.load %arg1[%get3A_254, %get3A_255] : memref<4000x8xf32, #tpu.memory_space<vmem>>, vector<4000x1xf32>
    %get3A_257 = arith.constant 0 : index
    %get3A_258 = arith.constant 0 : index
    %get3A_259 = vector.load %arg7[%get3A_257, %get3A_258] : memref<1x128xf32, #tpu.memory_space<vmem>>, vector<1x128xf32>
    %mul3A_260 = vector.broadcast %get3A_256 : vector<4000x1xf32> to vector<4000x128xf32>
    %mul3A_261 = vector.broadcast %get3A_259 : vector<1x128xf32> to vector<4000x128xf32>
    %mul3A_262 = arith.mulf %mul3A_260, %mul3A_261 : vector<4000x128xf32>
    %get3A_263 = arith.constant 0 : index
    %get3A_264 = arith.constant 0 : index
    %get3A_265 = vector.load %arg8[%get3A_263, %get3A_264] : memref<1x128xf32, #tpu.memory_space<vmem>>, vector<1x128xf32>
    %add3A_266 = vector.broadcast %get3A_265 : vector<1x128xf32> to vector<4000x128xf32>
    %add3A_267 = arith.addf %mul3A_262, %add3A_266 : vector<4000x128xf32>
    %max3A_268 = arith.constant 0.000000e+00 : f32
    %max3A_269 = vector.broadcast %max3A_268 : f32 to vector<4000x128xf32>
    %max3A_270 = arith.maximumf %add3A_267, %max3A_269 : vector<4000x128xf32>
    %convert_element_type3A_271 = arith.truncf %max3A_270 : vector<4000x128xf32> to vector<4000x128xbf16>
    %get3A_272 = arith.constant 0 : index
    %get3A_273 = arith.constant 0 : index
    %get3A_274 = vector.load %arg9[%get3A_272, %get3A_273] : memref<128x128xbf16, #tpu.memory_space<vmem>>, vector<128x128xbf16>
    %dot_general3A_275 = arith.constant dense<0.000000e+00> : vector<4000x128xf32>
    %dot_general3A_276 = tpu.matmul %convert_element_type3A_271, %get3A_274, %dot_general3A_275 {dimension_numbers = #tpu.dot_dimension_numbers<[1], [0], [0], [1], [0, 0, 1, 1], [], []>, transpose_lhs_hint = false} : vector<4000x128xbf16>, vector<128x128xbf16>, vector<4000x128xf32> -> vector<4000x128xf32>
    %get3A_277 = arith.constant 0 : index
    %get3A_278 = arith.constant 0 : index
    %get3A_279 = vector.load %arg10[%get3A_277, %get3A_278] : memref<1x128xf32, #tpu.memory_space<vmem>>, vector<1x128xf32>
    %add3A_280 = vector.broadcast %get3A_279 : vector<1x128xf32> to vector<4000x128xf32>
    %add3A_281 = arith.addf %dot_general3A_276, %add3A_280 : vector<4000x128xf32>
    %max3A_282 = arith.constant 0.000000e+00 : f32
    %max3A_283 = vector.broadcast %max3A_282 : f32 to vector<4000x128xf32>
    %max3A_284 = arith.maximumf %add3A_281, %max3A_283 : vector<4000x128xf32>
    %convert_element_type3A_285 = arith.truncf %max3A_284 : vector<4000x128xf32> to vector<4000x128xbf16>
    %get3A_286 = arith.constant 0 : index
    %get3A_287 = arith.constant 0 : index
    %get3A_288 = vector.load %arg11[%get3A_286, %get3A_287] : memref<128x256xbf16, #tpu.memory_space<vmem>>, vector<128x256xbf16>
    %dot_general3A_289 = arith.constant dense<0.000000e+00> : vector<4000x256xf32>
    %dot_general3A_290 = tpu.matmul %convert_element_type3A_285, %get3A_288, %dot_general3A_289 {dimension_numbers = #tpu.dot_dimension_numbers<[1], [0], [0], [1], [0, 0, 1, 1], [], []>, transpose_lhs_hint = false} : vector<4000x128xbf16>, vector<128x256xbf16>, vector<4000x256xf32> -> vector<4000x256xf32>
    %get3A_291 = arith.constant 0 : index
    %get3A_292 = arith.constant 0 : index
    %get3A_293 = vector.load %arg12[%get3A_291, %get3A_292] : memref<1x256xf32, #tpu.memory_space<vmem>>, vector<1x256xf32>
    %add3A_294 = vector.broadcast %get3A_293 : vector<1x256xf32> to vector<4000x256xf32>
    %add3A_295 = arith.addf %dot_general3A_290, %add3A_294 : vector<4000x256xf32>
    %get3A_296 = arith.constant 0 : index
    %get3A_297 = arith.constant 64 : index
    %get3A_298 = vector.load %arg2[%get3A_296, %get3A_297] : memref<4000x128xf32, #tpu.memory_space<vmem>>, vector<4000x16xf32>
    %mul3A_299 = vector.broadcast %get3A_3 : vector<1x16xf32> to vector<4000x16xf32>
    %mul3A_300 = arith.mulf %get3A_298, %mul3A_299 : vector<4000x16xf32>
    %add3A_301 = vector.broadcast %get3A_6 : vector<1x16xf32> to vector<4000x16xf32>
    %add3A_302 = arith.addf %mul3A_300, %add3A_301 : vector<4000x16xf32>
    %get3A_303 = arith.constant 0 : index
    %get3A_304 = arith.constant 0 : index
    %get3A_305 = vector.load %arg13[%get3A_303, %get3A_304] : memref<16x256xf32, #tpu.memory_space<vmem>>, vector<16x256xf32>
    %dot_general3A_306 = arith.constant dense<0.000000e+00> : vector<4000x256xf32>
    %dot_general3A_307 = tpu.matmul %add3A_302, %get3A_305, %dot_general3A_306 {dimension_numbers = #tpu.dot_dimension_numbers<[1], [0], [0], [1], [0, 0, 1, 1], [], []>, transpose_lhs_hint = false} : vector<4000x16xf32>, vector<16x256xf32>, vector<4000x256xf32> -> vector<4000x256xf32>
    %mul3A_308 = arith.mulf %dot_general3A_307, %add3A_295 : vector<4000x256xf32>
    %get3A_309 = arith.constant 0 : index
    %get3A_310 = arith.constant 0 : index
    %get3A_311 = vector.load %arg14[%get3A_309, %get3A_310] : memref<256x16xf32, #tpu.memory_space<vmem>>, vector<256x16xf32>
    %dot_general3A_312 = arith.constant dense<0.000000e+00> : vector<4000x16xf32>
    %dot_general3A_313 = tpu.matmul %mul3A_308, %get3A_311, %dot_general3A_312 {dimension_numbers = #tpu.dot_dimension_numbers<[1], [0], [0], [1], [0, 0, 1, 1], [], []>, transpose_lhs_hint = false} : vector<4000x256xf32>, vector<256x16xf32>, vector<4000x16xf32> -> vector<4000x16xf32>
    %swap3A_314 = arith.constant 0 : index
    %swap3A_315 = arith.constant 64 : index
    %swap3A_316 = vector.load %arg15[%swap3A_314, %swap3A_315] : memref<4000x128xf32, #tpu.memory_space<vmem>>, vector<4000x16xf32>
    tpu.vector_store %arg15[%swap3A_314, %swap3A_315], %dot_general3A_313 {strides = array<i32>} : memref<4000x128xf32, #tpu.memory_space<vmem>>, vector<4000x16xf32>,
    %get3A_317 = arith.constant 0 : index
    %get3A_318 = arith.constant 5 : index
    %get3A_319 = vector.load %arg1[%get3A_317, %get3A_318] : memref<4000x8xf32, #tpu.memory_space<vmem>>, vector<4000x1xf32>
    %get3A_320 = arith.constant 0 : index
    %get3A_321 = arith.constant 0 : index
    %get3A_322 = vector.load %arg7[%get3A_320, %get3A_321] : memref<1x128xf32, #tpu.memory_space<vmem>>, vector<1x128xf32>
    %mul3A_323 = vector.broadcast %get3A_319 : vector<4000x1xf32> to vector<4000x128xf32>
    %mul3A_324 = vector.broadcast %get3A_322 : vector<1x128xf32> to vector<4000x128xf32>
    %mul3A_325 = arith.mulf %mul3A_323, %mul3A_324 : vector<4000x128xf32>
    %get3A_326 = arith.constant 0 : index
    %get3A_327 = arith.constant 0 : index
    %get3A_328 = vector.load %arg8[%get3A_326, %get3A_327] : memref<1x128xf32, #tpu.memory_space<vmem>>, vector<1x128xf32>
    %add3A_329 = vector.broadcast %get3A_328 : vector<1x128xf32> to vector<4000x128xf32>
    %add3A_330 = arith.addf %mul3A_325, %add3A_329 : vector<4000x128xf32>
    %max3A_331 = arith.constant 0.000000e+00 : f32
    %max3A_332 = vector.broadcast %max3A_331 : f32 to vector<4000x128xf32>
    %max3A_333 = arith.maximumf %add3A_330, %max3A_332 : vector<4000x128xf32>
    %convert_element_type3A_334 = arith.truncf %max3A_333 : vector<4000x128xf32> to vector<4000x128xbf16>
    %get3A_335 = arith.constant 0 : index
    %get3A_336 = arith.constant 0 : index
    %get3A_337 = vector.load %arg9[%get3A_335, %get3A_336] : memref<128x128xbf16, #tpu.memory_space<vmem>>, vector<128x128xbf16>
    %dot_general3A_338 = arith.constant dense<0.000000e+00> : vector<4000x128xf32>
    %dot_general3A_339 = tpu.matmul %convert_element_type3A_334, %get3A_337, %dot_general3A_338 {dimension_numbers = #tpu.dot_dimension_numbers<[1], [0], [0], [1], [0, 0, 1, 1], [], []>, transpose_lhs_hint = false} : vector<4000x128xbf16>, vector<128x128xbf16>, vector<4000x128xf32> -> vector<4000x128xf32>
    %get3A_340 = arith.constant 0 : index
    %get3A_341 = arith.constant 0 : index
    %get3A_342 = vector.load %arg10[%get3A_340, %get3A_341] : memref<1x128xf32, #tpu.memory_space<vmem>>, vector<1x128xf32>
    %add3A_343 = vector.broadcast %get3A_342 : vector<1x128xf32> to vector<4000x128xf32>
    %add3A_344 = arith.addf %dot_general3A_339, %add3A_343 : vector<4000x128xf32>
    %max3A_345 = arith.constant 0.000000e+00 : f32
    %max3A_346 = vector.broadcast %max3A_345 : f32 to vector<4000x128xf32>
    %max3A_347 = arith.maximumf %add3A_344, %max3A_346 : vector<4000x128xf32>
    %convert_element_type3A_348 = arith.truncf %max3A_347 : vector<4000x128xf32> to vector<4000x128xbf16>
    %get3A_349 = arith.constant 0 : index
    %get3A_350 = arith.constant 0 : index
    %get3A_351 = vector.load %arg11[%get3A_349, %get3A_350] : memref<128x256xbf16, #tpu.memory_space<vmem>>, vector<128x256xbf16>
    %dot_general3A_352 = arith.constant dense<0.000000e+00> : vector<4000x256xf32>
    %dot_general3A_353 = tpu.matmul %convert_element_type3A_348, %get3A_351, %dot_general3A_352 {dimension_numbers = #tpu.dot_dimension_numbers<[1], [0], [0], [1], [0, 0, 1, 1], [], []>, transpose_lhs_hint = false} : vector<4000x128xbf16>, vector<128x256xbf16>, vector<4000x256xf32> -> vector<4000x256xf32>
    %get3A_354 = arith.constant 0 : index
    %get3A_355 = arith.constant 0 : index
    %get3A_356 = vector.load %arg12[%get3A_354, %get3A_355] : memref<1x256xf32, #tpu.memory_space<vmem>>, vector<1x256xf32>
    %add3A_357 = vector.broadcast %get3A_356 : vector<1x256xf32> to vector<4000x256xf32>
    %add3A_358 = arith.addf %dot_general3A_353, %add3A_357 : vector<4000x256xf32>
    %get3A_359 = arith.constant 0 : index
    %get3A_360 = arith.constant 80 : index
    %get3A_361 = vector.load %arg2[%get3A_359, %get3A_360] : memref<4000x128xf32, #tpu.memory_space<vmem>>, vector<4000x16xf32>
    %mul3A_362 = vector.broadcast %get3A_3 : vector<1x16xf32> to vector<4000x16xf32>
    %mul3A_363 = arith.mulf %get3A_361, %mul3A_362 : vector<4000x16xf32>
    %add3A_364 = vector.broadcast %get3A_6 : vector<1x16xf32> to vector<4000x16xf32>
    %add3A_365 = arith.addf %mul3A_363, %add3A_364 : vector<4000x16xf32>
    %get3A_366 = arith.constant 0 : index
    %get3A_367 = arith.constant 0 : index
    %get3A_368 = vector.load %arg13[%get3A_366, %get3A_367] : memref<16x256xf32, #tpu.memory_space<vmem>>, vector<16x256xf32>
    %dot_general3A_369 = arith.constant dense<0.000000e+00> : vector<4000x256xf32>
    %dot_general3A_370 = tpu.matmul %add3A_365, %get3A_368, %dot_general3A_369 {dimension_numbers = #tpu.dot_dimension_numbers<[1], [0], [0], [1], [0, 0, 1, 1], [], []>, transpose_lhs_hint = false} : vector<4000x16xf32>, vector<16x256xf32>, vector<4000x256xf32> -> vector<4000x256xf32>
    %mul3A_371 = arith.mulf %dot_general3A_370, %add3A_358 : vector<4000x256xf32>
    %get3A_372 = arith.constant 0 : index
    %get3A_373 = arith.constant 0 : index
    %get3A_374 = vector.load %arg14[%get3A_372, %get3A_373] : memref<256x16xf32, #tpu.memory_space<vmem>>, vector<256x16xf32>
    %dot_general3A_375 = arith.constant dense<0.000000e+00> : vector<4000x16xf32>
    %dot_general3A_376 = tpu.matmul %mul3A_371, %get3A_374, %dot_general3A_375 {dimension_numbers = #tpu.dot_dimension_numbers<[1], [0], [0], [1], [0, 0, 1, 1], [], []>, transpose_lhs_hint = false} : vector<4000x256xf32>, vector<256x16xf32>, vector<4000x16xf32> -> vector<4000x16xf32>
    %swap3A_377 = arith.constant 0 : index
    %swap3A_378 = arith.constant 80 : index
    %swap3A_379 = vector.load %arg15[%swap3A_377, %swap3A_378] : memref<4000x128xf32, #tpu.memory_space<vmem>>, vector<4000x16xf32>
    tpu.vector_store %arg15[%swap3A_377, %swap3A_378], %dot_general3A_376 {strides = array<i32>} : memref<4000x128xf32, #tpu.memory_space<vmem>>, vector<4000x16xf32>,
    %get3A_380 = arith.constant 0 : index
    %get3A_381 = arith.constant 6 : index
    %get3A_382 = vector.load %arg1[%get3A_380, %get3A_381] : memref<4000x8xf32, #tpu.memory_space<vmem>>, vector<4000x1xf32>
    %get3A_383 = arith.constant 0 : index
    %get3A_384 = arith.constant 0 : index
    %get3A_385 = vector.load %arg7[%get3A_383, %get3A_384] : memref<1x128xf32, #tpu.memory_space<vmem>>, vector<1x128xf32>
    %mul3A_386 = vector.broadcast %get3A_382 : vector<4000x1xf32> to vector<4000x128xf32>
    %mul3A_387 = vector.broadcast %get3A_385 : vector<1x128xf32> to vector<4000x128xf32>
    %mul3A_388 = arith.mulf %mul3A_386, %mul3A_387 : vector<4000x128xf32>
    %get3A_389 = arith.constant 0 : index
    %get3A_390 = arith.constant 0 : index
    %get3A_391 = vector.load %arg8[%get3A_389, %get3A_390] : memref<1x128xf32, #tpu.memory_space<vmem>>, vector<1x128xf32>
    %add3A_392 = vector.broadcast %get3A_391 : vector<1x128xf32> to vector<4000x128xf32>
    %add3A_393 = arith.addf %mul3A_388, %add3A_392 : vector<4000x128xf32>
    %max3A_394 = arith.constant 0.000000e+00 : f32
    %max3A_395 = vector.broadcast %max3A_394 : f32 to vector<4000x128xf32>
    %max3A_396 = arith.maximumf %add3A_393, %max3A_395 : vector<4000x128xf32>
    %convert_element_type3A_397 = arith.truncf %max3A_396 : vector<4000x128xf32> to vector<4000x128xbf16>
    %get3A_398 = arith.constant 0 : index
    %get3A_399 = arith.constant 0 : index
    %get3A_400 = vector.load %arg9[%get3A_398, %get3A_399] : memref<128x128xbf16, #tpu.memory_space<vmem>>, vector<128x128xbf16>
    %dot_general3A_401 = arith.constant dense<0.000000e+00> : vector<4000x128xf32>
    %dot_general3A_402 = tpu.matmul %convert_element_type3A_397, %get3A_400, %dot_general3A_401 {dimension_numbers = #tpu.dot_dimension_numbers<[1], [0], [0], [1], [0, 0, 1, 1], [], []>, transpose_lhs_hint = false} : vector<4000x128xbf16>, vector<128x128xbf16>, vector<4000x128xf32> -> vector<4000x128xf32>
    %get3A_403 = arith.constant 0 : index
    %get3A_404 = arith.constant 0 : index
    %get3A_405 = vector.load %arg10[%get3A_403, %get3A_404] : memref<1x128xf32, #tpu.memory_space<vmem>>, vector<1x128xf32>
    %add3A_406 = vector.broadcast %get3A_405 : vector<1x128xf32> to vector<4000x128xf32>
    %add3A_407 = arith.addf %dot_general3A_402, %add3A_406 : vector<4000x128xf32>
    %max3A_408 = arith.constant 0.000000e+00 : f32
    %max3A_409 = vector.broadcast %max3A_408 : f32 to vector<4000x128xf32>
    %max3A_410 = arith.maximumf %add3A_407, %max3A_409 : vector<4000x128xf32>
    %convert_element_type3A_411 = arith.truncf %max3A_410 : vector<4000x128xf32> to vector<4000x128xbf16>
    %get3A_412 = arith.constant 0 : index
    %get3A_413 = arith.constant 0 : index
    %get3A_414 = vector.load %arg11[%get3A_412, %get3A_413] : memref<128x256xbf16, #tpu.memory_space<vmem>>, vector<128x256xbf16>
    %dot_general3A_415 = arith.constant dense<0.000000e+00> : vector<4000x256xf32>
    %dot_general3A_416 = tpu.matmul %convert_element_type3A_411, %get3A_414, %dot_general3A_415 {dimension_numbers = #tpu.dot_dimension_numbers<[1], [0], [0], [1], [0, 0, 1, 1], [], []>, transpose_lhs_hint = false} : vector<4000x128xbf16>, vector<128x256xbf16>, vector<4000x256xf32> -> vector<4000x256xf32>
    %get3A_417 = arith.constant 0 : index
    %get3A_418 = arith.constant 0 : index
    %get3A_419 = vector.load %arg12[%get3A_417, %get3A_418] : memref<1x256xf32, #tpu.memory_space<vmem>>, vector<1x256xf32>
    %add3A_420 = vector.broadcast %get3A_419 : vector<1x256xf32> to vector<4000x256xf32>
    %add3A_421 = arith.addf %dot_general3A_416, %add3A_420 : vector<4000x256xf32>
    %get3A_422 = arith.constant 0 : index
    %get3A_423 = arith.constant 96 : index
    %get3A_424 = vector.load %arg2[%get3A_422, %get3A_423] : memref<4000x128xf32, #tpu.memory_space<vmem>>, vector<4000x16xf32>
    %mul3A_425 = vector.broadcast %get3A_3 : vector<1x16xf32> to vector<4000x16xf32>
    %mul3A_426 = arith.mulf %get3A_424, %mul3A_425 : vector<4000x16xf32>
    %add3A_427 = vector.broadcast %get3A_6 : vector<1x16xf32> to vector<4000x16xf32>
    %add3A_428 = arith.addf %mul3A_426, %add3A_427 : vector<4000x16xf32>
    %get3A_429 = arith.constant 0 : index
    %get3A_430 = arith.constant 0 : index
    %get3A_431 = vector.load %arg13[%get3A_429, %get3A_430] : memref<16x256xf32, #tpu.memory_space<vmem>>, vector<16x256xf32>
    %dot_general3A_432 = arith.constant dense<0.000000e+00> : vector<4000x256xf32>
    %dot_general3A_433 = tpu.matmul %add3A_428, %get3A_431, %dot_general3A_432 {dimension_numbers = #tpu.dot_dimension_numbers<[1], [0], [0], [1], [0, 0, 1, 1], [], []>, transpose_lhs_hint = false} : vector<4000x16xf32>, vector<16x256xf32>, vector<4000x256xf32> -> vector<4000x256xf32>
    %mul3A_434 = arith.mulf %dot_general3A_433, %add3A_421 : vector<4000x256xf32>
    %get3A_435 = arith.constant 0 : index
    %get3A_436 = arith.constant 0 : index
    %get3A_437 = vector.load %arg14[%get3A_435, %get3A_436] : memref<256x16xf32, #tpu.memory_space<vmem>>, vector<256x16xf32>
    %dot_general3A_438 = arith.constant dense<0.000000e+00> : vector<4000x16xf32>
    %dot_general3A_439 = tpu.matmul %mul3A_434, %get3A_437, %dot_general3A_438 {dimension_numbers = #tpu.dot_dimension_numbers<[1], [0], [0], [1], [0, 0, 1, 1], [], []>, transpose_lhs_hint = false} : vector<4000x256xf32>, vector<256x16xf32>, vector<4000x16xf32> -> vector<4000x16xf32>
    %swap3A_440 = arith.constant 0 : index
    %swap3A_441 = arith.constant 96 : index
    %swap3A_442 = vector.load %arg15[%swap3A_440, %swap3A_441] : memref<4000x128xf32, #tpu.memory_space<vmem>>, vector<4000x16xf32>
    tpu.vector_store %arg15[%swap3A_440, %swap3A_441], %dot_general3A_439 {strides = array<i32>} : memref<4000x128xf32, #tpu.memory_space<vmem>>, vector<4000x16xf32>,
    %get3A_443 = arith.constant 0 : index
    %get3A_444 = arith.constant 7 : index
    %get3A_445 = vector.load %arg1[%get3A_443, %get3A_444] : memref<4000x8xf32, #tpu.memory_space<vmem>>, vector<4000x1xf32>
    %get3A_446 = arith.constant 0 : index
    %get3A_447 = arith.constant 0 : index
    %get3A_448 = vector.load %arg7[%get3A_446, %get3A_447] : memref<1x128xf32, #tpu.memory_space<vmem>>, vector<1x128xf32>
    %mul3A_449 = vector.broadcast %get3A_445 : vector<4000x1xf32> to vector<4000x128xf32>
    %mul3A_450 = vector.broadcast %get3A_448 : vector<1x128xf32> to vector<4000x128xf32>
    %mul3A_451 = arith.mulf %mul3A_449, %mul3A_450 : vector<4000x128xf32>
    %get3A_452 = arith.constant 0 : index
    %get3A_453 = arith.constant 0 : index
    %get3A_454 = vector.load %arg8[%get3A_452, %get3A_453] : memref<1x128xf32, #tpu.memory_space<vmem>>, vector<1x128xf32>
    %add3A_455 = vector.broadcast %get3A_454 : vector<1x128xf32> to vector<4000x128xf32>
    %add3A_456 = arith.addf %mul3A_451, %add3A_455 : vector<4000x128xf32>
    %max3A_457 = arith.constant 0.000000e+00 : f32
    %max3A_458 = vector.broadcast %max3A_457 : f32 to vector<4000x128xf32>
    %max3A_459 = arith.maximumf %add3A_456, %max3A_458 : vector<4000x128xf32>
    %convert_element_type3A_460 = arith.truncf %max3A_459 : vector<4000x128xf32> to vector<4000x128xbf16>
    %get3A_461 = arith.constant 0 : index
    %get3A_462 = arith.constant 0 : index
    %get3A_463 = vector.load %arg9[%get3A_461, %get3A_462] : memref<128x128xbf16, #tpu.memory_space<vmem>>, vector<128x128xbf16>
    %dot_general3A_464 = arith.constant dense<0.000000e+00> : vector<4000x128xf32>
    %dot_general3A_465 = tpu.matmul %convert_element_type3A_460, %get3A_463, %dot_general3A_464 {dimension_numbers = #tpu.dot_dimension_numbers<[1], [0], [0], [1], [0, 0, 1, 1], [], []>, transpose_lhs_hint = false} : vector<4000x128xbf16>, vector<128x128xbf16>, vector<4000x128xf32> -> vector<4000x128xf32>
    %get3A_466 = arith.constant 0 : index
    %get3A_467 = arith.constant 0 : index
    %get3A_468 = vector.load %arg10[%get3A_466, %get3A_467] : memref<1x128xf32, #tpu.memory_space<vmem>>, vector<1x128xf32>
    %add3A_469 = vector.broadcast %get3A_468 : vector<1x128xf32> to vector<4000x128xf32>
    %add3A_470 = arith.addf %dot_general3A_465, %add3A_469 : vector<4000x128xf32>
    %max3A_471 = arith.constant 0.000000e+00 : f32
    %max3A_472 = vector.broadcast %max3A_471 : f32 to vector<4000x128xf32>
    %max3A_473 = arith.maximumf %add3A_470, %max3A_472 : vector<4000x128xf32>
    %convert_element_type3A_474 = arith.truncf %max3A_473 : vector<4000x128xf32> to vector<4000x128xbf16>
    %get3A_475 = arith.constant 0 : index
    %get3A_476 = arith.constant 0 : index
    %get3A_477 = vector.load %arg11[%get3A_475, %get3A_476] : memref<128x256xbf16, #tpu.memory_space<vmem>>, vector<128x256xbf16>
    %dot_general3A_478 = arith.constant dense<0.000000e+00> : vector<4000x256xf32>
    %dot_general3A_479 = tpu.matmul %convert_element_type3A_474, %get3A_477, %dot_general3A_478 {dimension_numbers = #tpu.dot_dimension_numbers<[1], [0], [0], [1], [0, 0, 1, 1], [], []>, transpose_lhs_hint = false} : vector<4000x128xbf16>, vector<128x256xbf16>, vector<4000x256xf32> -> vector<4000x256xf32>
    %get3A_480 = arith.constant 0 : index
    %get3A_481 = arith.constant 0 : index
    %get3A_482 = vector.load %arg12[%get3A_480, %get3A_481] : memref<1x256xf32, #tpu.memory_space<vmem>>, vector<1x256xf32>
    %add3A_483 = vector.broadcast %get3A_482 : vector<1x256xf32> to vector<4000x256xf32>
    %add3A_484 = arith.addf %dot_general3A_479, %add3A_483 : vector<4000x256xf32>
    %get3A_485 = arith.constant 0 : index
    %get3A_486 = arith.constant 112 : index
    %get3A_487 = vector.load %arg2[%get3A_485, %get3A_486] : memref<4000x128xf32, #tpu.memory_space<vmem>>, vector<4000x16xf32>
    %mul3A_488 = vector.broadcast %get3A_3 : vector<1x16xf32> to vector<4000x16xf32>
    %mul3A_489 = arith.mulf %get3A_487, %mul3A_488 : vector<4000x16xf32>
    %add3A_490 = vector.broadcast %get3A_6 : vector<1x16xf32> to vector<4000x16xf32>
    %add3A_491 = arith.addf %mul3A_489, %add3A_490 : vector<4000x16xf32>
    %get3A_492 = arith.constant 0 : index
    %get3A_493 = arith.constant 0 : index
    %get3A_494 = vector.load %arg13[%get3A_492, %get3A_493] : memref<16x256xf32, #tpu.memory_space<vmem>>, vector<16x256xf32>
    %dot_general3A_495 = arith.constant dense<0.000000e+00> : vector<4000x256xf32>
    %dot_general3A_496 = tpu.matmul %add3A_491, %get3A_494, %dot_general3A_495 {dimension_numbers = #tpu.dot_dimension_numbers<[1], [0], [0], [1], [0, 0, 1, 1], [], []>, transpose_lhs_hint = false} : vector<4000x16xf32>, vector<16x256xf32>, vector<4000x256xf32> -> vector<4000x256xf32>
    %mul3A_497 = arith.mulf %dot_general3A_496, %add3A_484 : vector<4000x256xf32>
    %get3A_498 = arith.constant 0 : index
    %get3A_499 = arith.constant 0 : index
    %get3A_500 = vector.load %arg14[%get3A_498, %get3A_499] : memref<256x16xf32, #tpu.memory_space<vmem>>, vector<256x16xf32>
    %dot_general3A_501 = arith.constant dense<0.000000e+00> : vector<4000x16xf32>
    %dot_general3A_502 = tpu.matmul %mul3A_497, %get3A_500, %dot_general3A_501 {dimension_numbers = #tpu.dot_dimension_numbers<[1], [0], [0], [1], [0, 0, 1, 1], [], []>, transpose_lhs_hint = false} : vector<4000x256xf32>, vector<256x16xf32>, vector<4000x16xf32> -> vector<4000x16xf32>
    %swap3A_503 = arith.constant 0 : index
    %swap3A_504 = arith.constant 112 : index
    %swap3A_505 = vector.load %arg15[%swap3A_503, %swap3A_504] : memref<4000x128xf32, #tpu.memory_space<vmem>>, vector<4000x16xf32>
    tpu.vector_store %arg15[%swap3A_503, %swap3A_504], %dot_general3A_502 {strides = array<i32>} : memref<4000x128xf32, #tpu.memory_space<vmem>>, vector<4000x16xf32>,
    return
  }
  func.func @transform_0(%arg0: i32) -> (i32, i32) {
    %add3A = arith.constant 0 : i32
    %add3A_0 = arith.addi %arg0, %add3A : i32
    %c0_i32 = arith.constant 0 : i32
    %c0_i32_1 = arith.constant 0 : i32
    return %add3A_0, %c0_i32 : i32, i32
  }
  func.func @transform_1(%arg0: i32) -> (i32, i32) {
    %add3A = arith.constant 0 : i32
    %add3A_0 = arith.addi %arg0, %add3A : i32
    %c0_i32 = arith.constant 0 : i32
    %c0_i32_1 = arith.constant 0 : i32
    return %add3A_0, %c0_i32 : i32, i32
  }
  func.func @transform_2(%arg0: i32) -> (i32, i32) {
    %c0_i32 = arith.constant 0 : i32
    %c0_i32_0 = arith.constant 0 : i32
    %c0_i32_1 = arith.constant 0 : i32
    return %c0_i32, %c0_i32_0 : i32, i32
  }
  func.func @transform_3(%arg0: i32) -> (i32, i32) {
    %c0_i32 = arith.constant 0 : i32
    %c0_i32_0 = arith.constant 0 : i32
    %c0_i32_1 = arith.constant 0 : i32
    return %c0_i32, %c0_i32_0 : i32, i32
  }
  func.func @transform_4(%arg0: i32) -> (i32, i32) {
    %c0_i32 = arith.constant 0 : i32
    %c0_i32_0 = arith.constant 0 : i32
    %c0_i32_1 = arith.constant 0 : i32
    return %c0_i32, %c0_i32_0 : i32, i32
  }
  func.func @transform_5(%arg0: i32) -> (i32, i32) {
    %c0_i32 = arith.constant 0 : i32
    %c0_i32_0 = arith.constant 0 : i32
    %c0_i32_1 = arith.constant 0 : i32
    return %c0_i32, %c0_i32_0 : i32, i32
  }
  func.func @transform_6(%arg0: i32) -> (i32, i32) {
    %c0_i32 = arith.constant 0 : i32
    %c0_i32_0 = arith.constant 0 : i32
    %c0_i32_1 = arith.constant 0 : i32
    return %c0_i32, %c0_i32_0 : i32, i32
  }
  func.func @transform_7(%arg0: i32) -> (i32, i32) {
    %c0_i32 = arith.constant 0 : i32
    %c0_i32_0 = arith.constant 0 : i32
    %c0_i32_1 = arith.constant 0 : i32
    return %c0_i32, %c0_i32_0 : i32, i32
  }
  func.func @transform_8(%arg0: i32) -> (i32, i32) {
    %c0_i32 = arith.constant 0 : i32
    %c0_i32_0 = arith.constant 0 : i32
    %c0_i32_1 = arith.constant 0 : i32
    return %c0_i32, %c0_i32_0 : i32, i32
  }
  func.func @transform_9(%arg0: i32) -> (i32, i32) {
    %c0_i32 = arith.constant 0 : i32
    %c0_i32_0 = arith.constant 0 : i32
    %c0_i32_1 = arith.constant 0 : i32
    return %c0_i32, %c0_i32_0 : i32, i32
  }
  func.func @transform_10(%arg0: i32) -> (i32, i32) {
    %c0_i32 = arith.constant 0 : i32
    %c0_i32_0 = arith.constant 0 : i32
    %c0_i32_1 = arith.constant 0 : i32
    return %c0_i32, %c0_i32_0 : i32, i32
  }
  func.func @transform_11(%arg0: i32) -> (i32, i32) {
    %c0_i32 = arith.constant 0 : i32
    %c0_i32_0 = arith.constant 0 : i32
    %c0_i32_1 = arith.constant 0 : i32
    return %c0_i32, %c0_i32_0 : i32, i32
  }
  func.func @transform_12(%arg0: i32) -> (i32, i32) {
    %c0_i32 = arith.constant 0 : i32
    %c0_i32_0 = arith.constant 0 : i32
    %c0_i32_1 = arith.constant 0 : i32
    return %c0_i32, %c0_i32_0 : i32, i32
  }
  func.func @transform_13(%arg0: i32) -> (i32, i32) {
    %c0_i32 = arith.constant 0 : i32
    %c0_i32_0 = arith.constant 0 : i32
    %c0_i32_1 = arith.constant 0 : i32
    return %c0_i32, %c0_i32_0 : i32, i32
  }
  func.func @transform_14(%arg0: i32) -> (i32, i32) {
    %c0_i32 = arith.constant 0 : i32
    %c0_i32_0 = arith.constant 0 : i32
    return %arg0, %c0_i32 : i32, i32
  }
}

module attributes {stable_mosaic.version = 14 : i64} {
  func.func @_update_body(%arg0: memref<2x1280x128xf32, #tpu.memory_space<vmem>>, %arg1: memref<2x1280x128xf32, #tpu.memory_space<vmem>>, %arg2: memref<1x128xf32, #tpu.memory_space<vmem>>, %arg3: memref<1280x128xf32, #tpu.memory_space<vmem>>, %arg4: memref<1280x128xf32, #tpu.memory_space<vmem>>) attributes {dimension_semantics = [], scalar_prefetch = 0 : i64, scratch_operands = 0 : i64, tpu.core_type = #tpu.core_type<tc>} {
    %get3A = arith.constant 0 : index
    %get3A_0 = arith.constant 0 : index
    %get3A_1 = arith.constant 0 : index
    %get3A_2 = vector.load %arg0[%get3A, %get3A_0, %get3A_1] : memref<2x1280x128xf32, #tpu.memory_space<vmem>>, vector<1x1280x128xf32>
    %get3A_3 = vector.shape_cast %get3A_2 : vector<1x1280x128xf32> to vector<1280x128xf32>
    %get3A_4 = arith.constant 1 : index
    %get3A_5 = arith.constant 0 : index
    %get3A_6 = arith.constant 0 : index
    %get3A_7 = vector.load %arg0[%get3A_4, %get3A_5, %get3A_6] : memref<2x1280x128xf32, #tpu.memory_space<vmem>>, vector<1x1280x128xf32>
    %get3A_8 = vector.shape_cast %get3A_7 : vector<1x1280x128xf32> to vector<1280x128xf32>
    %add3A = arith.addf %get3A_3, %get3A_8 : vector<1280x128xf32>
    %get3A_9 = arith.constant 0 : index
    %get3A_10 = arith.constant 0 : index
    %get3A_11 = arith.constant 0 : index
    %get3A_12 = vector.load %arg1[%get3A_9, %get3A_10, %get3A_11] : memref<2x1280x128xf32, #tpu.memory_space<vmem>>, vector<1x1280x128xf32>
    %get3A_13 = vector.shape_cast %get3A_12 : vector<1x1280x128xf32> to vector<1280x128xf32>
    %get3A_14 = arith.constant 1 : index
    %get3A_15 = arith.constant 0 : index
    %get3A_16 = arith.constant 0 : index
    %get3A_17 = vector.load %arg1[%get3A_14, %get3A_15, %get3A_16] : memref<2x1280x128xf32, #tpu.memory_space<vmem>>, vector<1x1280x128xf32>
    %get3A_18 = vector.shape_cast %get3A_17 : vector<1x1280x128xf32> to vector<1280x128xf32>
    %add3A_19 = arith.addf %get3A_13, %get3A_18 : vector<1280x128xf32>
    %max3A = arith.constant 1.000000e+00 : f32
    %max3A_20 = vector.broadcast %max3A : f32 to vector<1280x128xf32>
    %max3A_21 = arith.maximumf %add3A_19, %max3A_20 : vector<1280x128xf32>
    %div3A = arith.divf %add3A, %max3A_21 : vector<1280x128xf32>
    %get3A_22 = arith.constant 0 : index
    %get3A_23 = arith.constant 0 : index
    %get3A_24 = vector.load %arg2[%get3A_22, %get3A_23] : memref<1x128xf32, #tpu.memory_space<vmem>>, vector<1x128xf32>
    %add3A_25 = vector.broadcast %get3A_24 : vector<1x128xf32> to vector<1280x128xf32>
    %add3A_26 = arith.addf %div3A, %add3A_25 : vector<1280x128xf32>
    %get3A_27 = arith.constant 0 : index
    %get3A_28 = arith.constant 0 : index
    %get3A_29 = vector.load %arg3[%get3A_27, %get3A_28] : memref<1280x128xf32, #tpu.memory_space<vmem>>, vector<1280x128xf32>
    %add3A_30 = arith.addf %add3A_26, %get3A_29 : vector<1280x128xf32>
    %iota3A = tpu.iota {dimensions = array<i32: 0>} : vector<1280x128xi32>
    %lt3A = arith.constant 1250 : i32
    %lt3A_31 = vector.broadcast %lt3A : i32 to vector<1280x128xi32>
    %lt3A_32 = arith.cmpi slt, %iota3A, %lt3A_31 : vector<1280x128xi32>
    %jit3A = arith.constant 0.000000e+00 : f32
    %broadcast_in_dim3A = vector.broadcast %jit3A : f32 to vector<1280x128xf32>
    %select_n3A = arith.select %lt3A_32, %add3A_30, %broadcast_in_dim3A : vector<1280x128xi1>, vector<1280x128xf32>
    %swap3A = arith.constant 0 : index
    %swap3A_33 = arith.constant 0 : index
    %swap3A_34 = vector.load %arg4[%swap3A, %swap3A_33] : memref<1280x128xf32, #tpu.memory_space<vmem>>, vector<1280x128xf32>
    tpu.vector_store %arg4[%swap3A, %swap3A_33], %select_n3A {strides = array<i32>} : memref<1280x128xf32, #tpu.memory_space<vmem>>, vector<1280x128xf32>,
    return
  }
}

</mosaic_0001>

<sc_bundles>
// kernel: kernel.11.cloned.1.call-start
scs
__scs_entry_jumppad:
0x0: {  	(pc) =	sbr.rel $0x88, $3  }
0x1: {  	(tag) =	ssettag $0x0;
	lr =	simm.s32 $0x1  }
0x2: {  	[smem:$0x3F95] =	sst lr;
	_ =	strace $0xD0000000  }
0x3: {  	_ = 	snop  }
0x4: {  	_ = 	snop  }
0x5: {  	_ = 	snop  }
0x6: {  	_ = 	snop  }
0x7: {  	_ = 	snop  }
__scs_overlays_trampoline_lowered:
0x8: {  	[smem:$0x3FA4] =	sst s0  }
0x9: {  	[smem:$0x3FA5] =	sst s1  }
0xa: {  	[smem:$0x3FA6] =	sst s2  }
0xb: {  	[smem:$0x3FA7] =	sst s3  }
0xc: {  	[smem:$0x3FA8] =	sst s4  }
0xd: {  	[smem:$0x3FA9] =	sst s5  }
0xe: {  	[smem:$0x3FAA] =	sst s6  }
0xf: {  	[smem:$0x3FAB] =	sst s7  }
0x10: {  	[smem:$0x3FAC] =	sst s8  }
0x11: {  	[smem:$0x3FAD] =	sst s9;
	s0 =	simm.s32 @!p0 $0x0  }
0x12: {  	s1 =	sld [smem:$0x3F93];
	s0 =	simm.s32 @p0 $0x1  }
0x13: {  	[smem:$0x3FAE] =	sst s0;
	s0 =	simm.s32 @!p1 $0x0  }
0x14: {  	s2 =	sld [smem:$0x3F92];
	s0 =	simm.s32 @p1 $0x1  }
0x15: {  	[smem:$0x3FAF] =	sst s0;
	s0 =	simm.s32 @!p2 $0x0  }
0x16: {  	s3 =	sld [smem:$0x3FDB];
	s0 =	simm.s32 @p2 $0x1  }
0x17: {  	s4 =	simm.s32 $0x1BF5;
	[smem:$0x3FB1] =	sst s0  }
0x18: {  	s0 =	sld [smem:$0x3F94];
	_ =	swait.ge [sflag:s4], $0x0  }
0x19: {  	s7 =	sld [smem:$0x3F95]  }
0x1a: {  	s8 =	sadd.s32 $0xFFFFE003, lr  }
0x1b: {  	s9 =	sadd.s32 $0xFFFFFEF7, lr;
	s5 =	simm.s32 $0xFFFFFFFF;
	p2 =	slt.u32 s8, $0xFFFFF086  }
0x1c: {  	p1 =	slt.u32 s9, $0xF7A;
	s5 =	simm.s32 @!p2 $0x0  }
0x1d: {  	s5 =	simm.s32 @p1 $0x1;
	p0 =	seq.s32 s7, s2  }
0x1e: {  	s7 =	smul.u32 @!p0 $0xF7A, s2;
	p2 =	seq.s32 @!p0 s5, $0x0  }
0x1f: {  	s9 =	smul.u32 $0xF7A, s1;
	s8 =	simm.s32 @!p0 $0x1BF5;
	p2 =	por !p2, p0  }
0x20: {  	[sflag:s8] =	ssyncset.s32 @!p0 $0xFFFFF086;
	s6 =	sadd.s32 @!p0 s3, s7;
	s7 =	simm.s32 @!p0 $0x108  }
0x21: {  	s3 =	sadd.s32 s3, s9;
	s6 =	sadd.s32 @!p0 $0x88, s6;
	s7 =	simm.s32 @p2 $0x1082  }
0x22: {  	[simem:s7], [sflag:s8] =	dma.local @!p0 [hbm:s6], $0xF7A  }
0x23: {  	s9 =	sor.u32 $0xD0000000, s2;
	s6 =	simm.s32 $0x108;
	_ =	swait.ge @!p0 [sflag:s8], $0x0  }
0x24: {  	s3 =	sadd.s32 $0x88, s3;
	s6 =	simm.s32 @!p1 $0x1082;
	[sflag:s4] =	ssyncset.s32 $0xFFFFF086  }
0x25: {  	[simem:s6], [sflag:s4] =	dma.local [hbm:s3], $0xF7A  }
0x26: {  	[smem:$0x3F95] =	sst s1;
	(tag) =	ssettag s2;
	_ =	strace s9  }
0x27: {  	s1 =	sld [smem:$0x3FA5]  }
0x28: {  	s2 =	sld [smem:$0x3FA6]  }
0x29: {  	s4 =	sld [smem:$0x3FA8]  }
0x2a: {  	p0 =	seq.s32 s5, $0x0;
	s5 =	sld [smem:$0x3FA9]  }
0x2b: {  	s6 =	sld [smem:$0x3FAA]  }
0x2c: {  	s7 =	sld [smem:$0x3FAB]  }
0x2d: {  	s3 =	simm.s32 $0x108;
	s8 =	sld [smem:$0x3FAC]  }
0x2e: {  	s3 =	simm.s32 @!p0 $0x1082;
	s9 =	sld [smem:$0x3FAD]  }
0x2f: {  	lr =	sadd.s32 s0, s3;
	s0 =	sld [smem:$0x3FA4]  }
0x30: {  	s3 =	sld [smem:$0x3FA7]  }
0x31: {  	[smem:$0x3FB0] =	sst s10  }
0x32: {  	s10 =	sld [smem:$0x3FAE];
	_ =	sdelay $0x3  }
0x33: {  	p0 =	seq.s32 s10, $0x1;
	s10 =	sld [smem:$0x3FB0];
	_ =	sdelay $0x3  }
0x34: {  	[smem:$0x3FB0] =	sst s10  }
0x35: {  	s10 =	sld [smem:$0x3FAF];
	_ =	sdelay $0x3  }
0x36: {  	p1 =	seq.s32 s10, $0x1;
	s10 =	sld [smem:$0x3FB0];
	_ =	sdelay $0x3  }
0x37: {  	[smem:$0x3FB0] =	sst s10  }
0x38: {  	s10 =	sld [smem:$0x3FB1]  }
0x39: {  	_ = 	snop;
	(pc) =	sbr.ind lr, $3  }
0x3a: {  	_ = 	snop  }
0x3b: {  	_ = 	snop  }
0x3c: {  	p2 =	seq.s32 s10, $0x1;
	s10 =	sld [smem:$0x3FB0]  }
0x3d: {  	_ =	shalt  }
0x3e: {  	_ =	shalt  }
0x3f: {  	_ =	shalt  }
0x40: {  	_ =	shalt  }
0x41: {  	_ =	shalt  }
0x42: {  	_ =	shalt  }
0x43: {  	_ =	shalt  }
0x44: {  	_ =	shalt  }
0x45: {  	_ =	shalt  }
0x46: {  	_ =	shalt  }
0x47: {  	_ =	shalt  }
0x48: {  	_ =	shalt  }
0x49: {  	_ =	shalt  }
0x4a: {  	_ =	shalt  }
0x4b: {  	_ =	shalt  }
0x4c: {  	_ =	shalt  }
0x4d: {  	_ =	shalt  }
0x4e: {  	_ =	shalt  }
0x4f: {  	_ =	shalt  }
0x50: {  	_ =	shalt  }
0x51: {  	_ =	shalt  }
0x52: {  	_ =	shalt  }
0x53: {  	_ =	shalt  }
0x54: {  	_ =	shalt  }
0x55: {  	_ =	shalt  }
0x56: {  	_ =	shalt  }
0x57: {  	_ =	shalt  }
0x58: {  	_ =	shalt  }
0x59: {  	_ =	shalt  }
0x5a: {  	_ =	shalt  }
0x5b: {  	_ =	shalt  }
0x5c: {  	_ =	shalt  }
0x5d: {  	_ =	shalt  }
0x5e: {  	_ =	shalt  }
0x5f: {  	_ =	shalt  }
0x60: {  	_ =	shalt  }
0x61: {  	_ =	shalt  }
0x62: {  	_ =	shalt  }
0x63: {  	_ =	shalt  }
0x64: {  	_ =	shalt  }
0x65: {  	_ =	shalt  }
0x66: {  	_ =	shalt  }
0x67: {  	_ =	shalt  }
0x68: {  	_ =	shalt  }
0x69: {  	_ =	shalt  }
0x6a: {  	_ =	shalt  }
0x6b: {  	_ =	shalt  }
0x6c: {  	_ =	shalt  }
0x6d: {  	_ =	shalt  }
0x6e: {  	_ =	shalt  }
0x6f: {  	_ =	shalt  }
0x70: {  	_ =	shalt  }
0x71: {  	_ =	shalt  }
0x72: {  	_ =	shalt  }
0x73: {  	_ =	shalt  }
0x74: {  	_ =	shalt  }
0x75: {  	_ =	shalt  }
0x76: {  	_ =	shalt  }
0x77: {  	_ =	shalt  }
0x78: {  	_ =	shalt  }
0x79: {  	_ =	shalt  }
0x7a: {  	_ =	shalt  }
0x7b: {  	_ =	shalt  }
0x7c: {  	_ =	shalt  }
0x7d: {  	_ =	shalt  }
0x7e: {  	_ =	shalt  }
0x7f: {  	_ =	shalt  }
0x80: {  	_ =	shalt  }
0x81: {  	_ =	shalt  }
0x82: {  	_ =	shalt  }
0x83: {  	_ =	shalt  }
0x84: {  	_ =	shalt  }
0x85: {  	_ =	shalt  }
0x86: {  	_ =	shalt  }
0x87: {  	_ =	shalt  }
.Lfunc_end0:
.L_simem_size_0:
called_computation_lowered:
.L_overlay_start_0:
0x88: {  	s2 =	sld [smem:$0x3FD9]  }
0x89: {  	s3 =	sld [smem:$0x3FFE];
	_ =	sdelay $0x1  }
0x8a: {  	s1 =	srdreg.scid  }
0x8b: {  	s0 =	sand.u32 $0x1, s1  }
0x8c: {  	s16 =	sshll.u32 s0, $0xA;
	s2 =	sadd.s32 s3, s2  }
0x8d: {  	s2 =	sadd.s32 s2, s16  }
0x8e: {  	[smem:$0x3FBC] =	sst s2  }
0x8f: {  	_ = 	snop  }
0x90: {  	(tm) =	ssettm $0x1  }
0x91: {  	s17 =	sld [smem:$0x3FFB];
	_ =	sdelay $0x3  }
0x92: {  	_ =	strace s17  }
0x93: {  	s2 =	sld [smem:$0x3FFC];
	_ =	sdelay $0x3  }
0x94: {  	_ =	strace s2  }
0x95: {  	s2 =	sld [smem:$0x3FFD];
	_ =	sdelay $0x3  }
0x96: {  	_ =	strace s2  }
0x97: {  	_ =	strace $0x8FFFFFFF  }
0x98: {  	s18 =	sld [smem:$0x3FDB];
	_ =	sdelay $0x1  }
0x99: {  	s19 =	simm.s32 $_scs_section_size  }
0x9a: {  	s4 =	simm.s32 $_size__tile_overlayer_lowered;
	s5 =	simm.s32 $_tile_overlayer_lowered  }
0x9b: {  	s22 =	simm.s32 $0x1BFF;
	s21 =	sshll.u32 s5, $0x1;
	s2 =	sadd.s32 s19, s18  }
0x9c: {  	s6 =	simm.s32 $0x0;
	s20 =	sshll.u32 s4, $0x1;
	s4 =	sadd.s32 s21, s2  }
0x9d: {  	[timem:s6], [sflag:s22] =	dma.local [hbm:s4], s20  }
0x9e: {  	_ =	swait.ge [sflag:s22], s20  }
0x9f: {  	s3 =	ssub.s32 $0x0, s20;
	[sflag:s22] =	ssyncset.done $0x0  }
0xa0: {  	[sflag:s22] =	ssyncadd.s32 s3;
	_ =	sdelay $0x1  }
0xa1: {  	s23 =	simm.s32 $0x1B8B  }
0xa2: {  	_ =	swait.ge [sflag:s23], $0x1  }
0xa3: {  	[sflag:s23] =	ssyncset.done $0x0  }
0xa4: {  	s25 =	simm.s32 $0x1B8E;
	s24 =	sld [smem:$0x3FFE];
	[sflag:s23] =	ssyncadd.s32 $0xFFFFFFFF  }
0xa5: {  	s26 =	simm.s32 $execute0_lowered;
	[smem:$0x3FD2] =	sst s25  }
0xa6: {  	s4 =	sshll.u32 s26, $0x1;
	_ =	strace $0x80000046;
	[dreg:$0x1] =	wrdreg $0xFFFFFFFF  }
0xa7: {  	s28 =	simm.s32 $_size_execute0_lowered;
	s2 =	sadd.s32 s2, s4;
	[dreg:$0x0] =	wrdreg $0x0  }
0xa8: {  	s4 =	sshll.u32 s28, $0x1;
	[dreg:$0x2] =	wrdreg s2  }
0xa9: {  	[dreg:$0x3] =	wrdreg s4  }
0xaa: {  	[dreg:$0x4] =	wrdreg $0xC0  }
0xab: {  	_ =	task [dreg:s6], $0x5FFFF  }
0xac: {  	[dreg:$0x1] =	wrdreg $0xFFFFFFFF  }
0xad: {  	[dreg:$0x0] =	wrdreg $0x60  }
0xae: {  	[dreg:$0x2] =	wrdreg s24  }
0xaf: {  	[dreg:$0x3] =	wrdreg $0xA  }
0xb0: {  	_ =	task.clear_ibuf [dreg:s6], $0x4FFFF;
	_ =	strace $0x90000046  }
0xb1: {  	s29 =	simm.s32 $0xA;
	_ =	strace $0x80000048  }
0xb2: {  	_ =	swait.ge [sflag:s29], $0x1  }
0xb3: {  	[sflag:s29] =	ssyncadd.s32 $0xFFFFFFFF  }
0xb4: {  	_ =	strace $0x90000048  }
0xb5: {  	_ =	sfence  }
0xb6: {  	s30 =	sld [smem:$0x0];
	_ =	sdelay $0x2  }
0xb7: {  	s31 =	sshll.u32 s1, $0xD;
	s1 =	sshrl.u32 s1, $0x2  }
0xb8: {  	s3 =	sand.u32 $0x4000, s31;
	s1 =	sadd.s32 s1, s30  }
0xb9: {  	s0 =	sor.u32 s3, s0;
	s1 =	sshll.u32 s1, $0x11  }
0xba: {  	s0 =	sor.u32 s1, s0  }
0xbb: {  	s0 =	sadd.s32 $0x8F2B, s0  }
0xbc: {  	[sflag:s0] =	ssyncadd.remote.s32 $0x1  }
0xbd: {  	_ =	sfence.sel $0xFFFF  }
0xbe: {  	[dreg:$0x0] =	wrdreg $0xFFFFFFFF;
	(pc) =	sbr.abs _section_cstart, $3  }
0xbf: {  	[dreg:$0x1] =	wrdreg $0xFFFFFFFF  }
0xc0: {  	_ =	task.clear_ibuf [dreg:s6], $0x2FFFF;
	_ =	strace $0x9FFFFFFF  }
0xc1: {  	(tm) =	ssettm $0x7FFFFFFF  }
tec
execute0_lowered:
.L_overlay_start_1:
0x0: {  	(tag) =	ssettag $0x1  }
0x1: {  	s1 =	srdreg.scid;
	s0 =	stileid.u32  }
0x2: {  	s5 =	rddreg [dreg:$0x0];
	s2 =	simm.s32 $0x0;
	s8 =	simm.s32 $0x7D  }
0x3: {  	s9 =	simm.s32 $0x1;
	s4 =	sand.u32 $0x1, s1;
	s30 =	sshll.u32 s0, $0x1  }
0x4: {  	s10 =	simm.s32 $0x1400;
	s1 =	rddreg [dreg:$0x1];
	s3 =	sor.u32 s4, s30  }
0x5: {  	s11 =	simm.s32 $0x0;
	[smem:$0x7FF] =	sst s2;
	s6 =	smul.u32 $0x280, s3  }
0x6: {  	_ =	strace $0x80000047;
	s4 =	ssub.s32 $0x2, s4;
	s7 =	smul.u32 $0x2710, s3  }
0x7: {  	s3 =	sadd.s32 $0x3400, s5;
	s31 =	sshrl.u32 s4, $0x1;
	s6 =	sadd.s32 s6, s5  }
0x8: {  	s5 =	sadd.s32 s7, s5;
	s7 =	ssub.s32 s4, s31;
	s4 =	sadd.s32 $0x8400, s6  }
0x9: {  	s5 =	sadd.s32 $0xD400, s5;
	s6 =	smax.u32 s7, $0x1;
	s7 =	simm.s32 $0x2  }
.LBB2_1:
0xa: {  	[tilespmem:s2], [sflag:$0x2] =	stream.linear.gather [hbm4b:s4+s2], $0x1400, $0x38;
	[tilespmem:$0x14C80] =	vst v63  }
0xb: {  	_ =	swait.ge [sflag:s7], $0x1400  }
0xc: {  	[sflag:s7] =	ssyncset.done $0x0  }
0xd: {  	s12 =	simm.s32 $0x1400;
	s13 =	simm.s32 $0x0;
	[sflag:s7] =	ssyncadd.s32 $0xFFFFEC00  }
.LBB2_2:
0xe: {  	p0 =	sne.s32 s13, $0x4E00  }
.Ltmp0:
0xf: {  	_ = 	snop;
	(pc) =	sbr.rel @p0 .LBB2_2-.Ltmp0, $4  }
0x10: {  	_ = 	snop  }
0x11: {  	s14 =	sshra.s32 s13, $0x2  }
0x12: {  	[tilespmem:s12], [sflag:$0x1] =	stream.indirect.gather [hbm4b:s3+s8], $0x10, s14, s8, $0xb8;
	[tilespmem:$0x14C80] =	vst v63  }
0x13: {  	s13 =	sadd.s32 $0x200, s13;
	s12 =	sadd.s32 $0x7D0, s12  }
0x14: {  	_ =	swait.ge [sflag:s9], $0x7D0  }
0x15: {  	s12 =	simm.s32 $0x27;
	[sflag:s9] =	ssyncset.done $0x0  }
.LBB2_4:
0x16: {  	p0 =	sne.s32 s12, $0x1;
	s12 =	sadd.s32 $0xFFFFFFFF, s12;
	[sflag:s9] =	ssyncadd.s32 $0xFFFFF830  }
.Ltmp1:
0x17: {  	(pc) =	sbr.rel @p0 .LBB2_4-.Ltmp1, $3  }
0x18: {  	_ =	sdelay $0x1  }
0x19: {  	_ =	swait.ge [sflag:s9], $0x7D0  }
0x1a: {  	[sflag:s9] =	ssyncset.done $0x0  }
0x1b: {  	s11 =	sadd.s32 $0x1, s11  }
0x1c: {  	p0 =	sne.s32 s11, s6  }
.Ltmp2:
0x1d: {  	[sflag:s9] =	ssyncadd.s32 $0xFFFFF830;
	(pc) =	sbr.rel @p0 .LBB2_1-.Ltmp2, $4  }
0x1e: {  	[hbm4b:s5+s2] =	stream.linear.scatter [tilespmem:s10], [sflag:$0x2], $0x13880, $0x38;
	[tilespmem:$0x14C80] =	vst v63  }
0x1f: {  	_ =	swait.ge [sflag:s7], $0x13880  }
0x20: {  	[sflag:s7] =	ssyncset.done $0x0  }
0x21: {  	[sflag:s7] =	ssyncadd.s32 $0xFFFEC780  }
0x22: {  	_ =	sfence.sel $0x180000  }
0x23: {  	[bflag:$0x0] =	sbarrier.arrive $0xFFFF  }
0x24: {  	p0 =	sne.s32 s0, $0x0;
	_ =	strace $0x90000047  }
0x25: {  	s0 =	sadd.s32 @!p0 $0x100000, s1;
	[bflag:$0x2] =	sbarrier.arrive $0xFFFF  }
0x26: {  	[sflag:s0] =	ssyncadd.tile.s32 @!p0 $0x1;
	_ =	shalt  }
.Lfunc_end2:
_tile_overlayer_lowered:
.L_overlay_start_2:
0x27: {  	(tag) =	ssettag $0x2  }
0x28: {  	s0 =	rddreg [dreg:$0x0];
	s2 =	stileid.u32  }
0x29: {  	s1 =	rddreg [dreg:$0x1];
	p0 =	sne.s32 s2, $0x0  }
0x2a: {  	s3 =	rddreg [dreg:$0x2];
	[bflag:$0x3] =	sbarrier.arrive $0xFFFF;
	s2 =	simm.s32 @!p0 $0x1C02  }
0x2b: {  	[timem:s3], [sflag:s2] =	dma.local @!p0 [hbm:s0], s1  }
0x2c: {  	s0 =	simm.s32 @!p0 $0x2  }
0x2d: {  	_ =	swait.ge @!p0 [sflag:s0], s1  }
0x2e: {  	s1 =	ssub.s32 @!p0 $0x0, s1;
	[sflag:s0] =	ssyncset.done @!p0 $0x0  }
0x2f: {  	[sflag:s0] =	ssyncadd.s32 @!p0 s1  }
0x30: {  	[bflag:$0x3] =	sbarrier.arrive $0xFFFF  }
0x31: {  	_ =	shalt  }

// kernel: kernel.14.cloned.1.call-start
scs
__scs_entry_jumppad:
0x0: {  	(pc) =	sbr.rel $0x88, $3  }
0x1: {  	(tag) =	ssettag $0x0;
	lr =	simm.s32 $0x1  }
0x2: {  	[smem:$0x3F95] =	sst lr;
	_ =	strace $0xD0000000  }
0x3: {  	_ = 	snop  }
0x4: {  	_ = 	snop  }
0x5: {  	_ = 	snop  }
0x6: {  	_ = 	snop  }
0x7: {  	_ = 	snop  }
__scs_overlays_trampoline_lowered:
0x8: {  	[smem:$0x3FA4] =	sst s0  }
0x9: {  	[smem:$0x3FA5] =	sst s1  }
0xa: {  	[smem:$0x3FA6] =	sst s2  }
0xb: {  	[smem:$0x3FA7] =	sst s3  }
0xc: {  	[smem:$0x3FA8] =	sst s4  }
0xd: {  	[smem:$0x3FA9] =	sst s5  }
0xe: {  	[smem:$0x3FAA] =	sst s6  }
0xf: {  	[smem:$0x3FAB] =	sst s7  }
0x10: {  	[smem:$0x3FAC] =	sst s8  }
0x11: {  	[smem:$0x3FAD] =	sst s9;
	s0 =	simm.s32 @!p0 $0x0  }
0x12: {  	s1 =	sld [smem:$0x3F93];
	s0 =	simm.s32 @p0 $0x1  }
0x13: {  	[smem:$0x3FAE] =	sst s0;
	s0 =	simm.s32 @!p1 $0x0  }
0x14: {  	s2 =	sld [smem:$0x3F92];
	s0 =	simm.s32 @p1 $0x1  }
0x15: {  	[smem:$0x3FAF] =	sst s0;
	s0 =	simm.s32 @!p2 $0x0  }
0x16: {  	s3 =	sld [smem:$0x3FDB];
	s0 =	simm.s32 @p2 $0x1  }
0x17: {  	s4 =	simm.s32 $0x1BF5;
	[smem:$0x3FB1] =	sst s0  }
0x18: {  	s0 =	sld [smem:$0x3F94];
	_ =	swait.ge [sflag:s4], $0x0  }
0x19: {  	s7 =	sld [smem:$0x3F95]  }
0x1a: {  	s8 =	sadd.s32 $0xFFFFE003, lr  }
0x1b: {  	s9 =	sadd.s32 $0xFFFFFEF7, lr;
	s5 =	simm.s32 $0xFFFFFFFF;
	p2 =	slt.u32 s8, $0xFFFFF086  }
0x1c: {  	p1 =	slt.u32 s9, $0xF7A;
	s5 =	simm.s32 @!p2 $0x0  }
0x1d: {  	s5 =	simm.s32 @p1 $0x1;
	p0 =	seq.s32 s7, s2  }
0x1e: {  	s7 =	smul.u32 @!p0 $0xF7A, s2;
	p2 =	seq.s32 @!p0 s5, $0x0  }
0x1f: {  	s9 =	smul.u32 $0xF7A, s1;
	s8 =	simm.s32 @!p0 $0x1BF5;
	p2 =	por !p2, p0  }
0x20: {  	[sflag:s8] =	ssyncset.s32 @!p0 $0xFFFFF086;
	s6 =	sadd.s32 @!p0 s3, s7;
	s7 =	simm.s32 @!p0 $0x108  }
0x21: {  	s3 =	sadd.s32 s3, s9;
	s6 =	sadd.s32 @!p0 $0x88, s6;
	s7 =	simm.s32 @p2 $0x1082  }
0x22: {  	[simem:s7], [sflag:s8] =	dma.local @!p0 [hbm:s6], $0xF7A  }
0x23: {  	s9 =	sor.u32 $0xD0000000, s2;
	s6 =	simm.s32 $0x108;
	_ =	swait.ge @!p0 [sflag:s8], $0x0  }
0x24: {  	s3 =	sadd.s32 $0x88, s3;
	s6 =	simm.s32 @!p1 $0x1082;
	[sflag:s4] =	ssyncset.s32 $0xFFFFF086  }
0x25: {  	[simem:s6], [sflag:s4] =	dma.local [hbm:s3], $0xF7A  }
0x26: {  	[smem:$0x3F95] =	sst s1;
	(tag) =	ssettag s2;
	_ =	strace s9  }
0x27: {  	s1 =	sld [smem:$0x3FA5]  }
0x28: {  	s2 =	sld [smem:$0x3FA6]  }
0x29: {  	s4 =	sld [smem:$0x3FA8]  }
0x2a: {  	p0 =	seq.s32 s5, $0x0;
	s5 =	sld [smem:$0x3FA9]  }
0x2b: {  	s6 =	sld [smem:$0x3FAA]  }
0x2c: {  	s7 =	sld [smem:$0x3FAB]  }
0x2d: {  	s3 =	simm.s32 $0x108;
	s8 =	sld [smem:$0x3FAC]  }
0x2e: {  	s3 =	simm.s32 @!p0 $0x1082;
	s9 =	sld [smem:$0x3FAD]  }
0x2f: {  	lr =	sadd.s32 s0, s3;
	s0 =	sld [smem:$0x3FA4]  }
0x30: {  	s3 =	sld [smem:$0x3FA7]  }
0x31: {  	[smem:$0x3FB0] =	sst s10  }
0x32: {  	s10 =	sld [smem:$0x3FAE];
	_ =	sdelay $0x3  }
0x33: {  	p0 =	seq.s32 s10, $0x1;
	s10 =	sld [smem:$0x3FB0];
	_ =	sdelay $0x3  }
0x34: {  	[smem:$0x3FB0] =	sst s10  }
0x35: {  	s10 =	sld [smem:$0x3FAF];
	_ =	sdelay $0x3  }
0x36: {  	p1 =	seq.s32 s10, $0x1;
	s10 =	sld [smem:$0x3FB0];
	_ =	sdelay $0x3  }
0x37: {  	[smem:$0x3FB0] =	sst s10  }
0x38: {  	s10 =	sld [smem:$0x3FB1]  }
0x39: {  	_ = 	snop;
	(pc) =	sbr.ind lr, $3  }
0x3a: {  	_ = 	snop  }
0x3b: {  	_ = 	snop  }
0x3c: {  	p2 =	seq.s32 s10, $0x1;
	s10 =	sld [smem:$0x3FB0]  }
0x3d: {  	_ =	shalt  }
0x3e: {  	_ =	shalt  }
0x3f: {  	_ =	shalt  }
0x40: {  	_ =	shalt  }
0x41: {  	_ =	shalt  }
0x42: {  	_ =	shalt  }
0x43: {  	_ =	shalt  }
0x44: {  	_ =	shalt  }
0x45: {  	_ =	shalt  }
0x46: {  	_ =	shalt  }
0x47: {  	_ =	shalt  }
0x48: {  	_ =	shalt  }
0x49: {  	_ =	shalt  }
0x4a: {  	_ =	shalt  }
0x4b: {  	_ =	shalt  }
0x4c: {  	_ =	shalt  }
0x4d: {  	_ =	shalt  }
0x4e: {  	_ =	shalt  }
0x4f: {  	_ =	shalt  }
0x50: {  	_ =	shalt  }
0x51: {  	_ =	shalt  }
0x52: {  	_ =	shalt  }
0x53: {  	_ =	shalt  }
0x54: {  	_ =	shalt  }
0x55: {  	_ =	shalt  }
0x56: {  	_ =	shalt  }
0x57: {  	_ =	shalt  }
0x58: {  	_ =	shalt  }
0x59: {  	_ =	shalt  }
0x5a: {  	_ =	shalt  }
0x5b: {  	_ =	shalt  }
0x5c: {  	_ =	shalt  }
0x5d: {  	_ =	shalt  }
0x5e: {  	_ =	shalt  }
0x5f: {  	_ =	shalt  }
0x60: {  	_ =	shalt  }
0x61: {  	_ =	shalt  }
0x62: {  	_ =	shalt  }
0x63: {  	_ =	shalt  }
0x64: {  	_ =	shalt  }
0x65: {  	_ =	shalt  }
0x66: {  	_ =	shalt  }
0x67: {  	_ =	shalt  }
0x68: {  	_ =	shalt  }
0x69: {  	_ =	shalt  }
0x6a: {  	_ =	shalt  }
0x6b: {  	_ =	shalt  }
0x6c: {  	_ =	shalt  }
0x6d: {  	_ =	shalt  }
0x6e: {  	_ =	shalt  }
0x6f: {  	_ =	shalt  }
0x70: {  	_ =	shalt  }
0x71: {  	_ =	shalt  }
0x72: {  	_ =	shalt  }
0x73: {  	_ =	shalt  }
0x74: {  	_ =	shalt  }
0x75: {  	_ =	shalt  }
0x76: {  	_ =	shalt  }
0x77: {  	_ =	shalt  }
0x78: {  	_ =	shalt  }
0x79: {  	_ =	shalt  }
0x7a: {  	_ =	shalt  }
0x7b: {  	_ =	shalt  }
0x7c: {  	_ =	shalt  }
0x7d: {  	_ =	shalt  }
0x7e: {  	_ =	shalt  }
0x7f: {  	_ =	shalt  }
0x80: {  	_ =	shalt  }
0x81: {  	_ =	shalt  }
0x82: {  	_ =	shalt  }
0x83: {  	_ =	shalt  }
0x84: {  	_ =	shalt  }
0x85: {  	_ =	shalt  }
0x86: {  	_ =	shalt  }
0x87: {  	_ =	shalt  }
.Lfunc_end0:
.L_simem_size_0:
called_computation.1_lowered:
.L_overlay_start_0:
0x88: {  	s2 =	sld [smem:$0x3FD9]  }
0x89: {  	s3 =	sld [smem:$0x3FFE];
	_ =	sdelay $0x1  }
0x8a: {  	s1 =	srdreg.scid  }
0x8b: {  	s0 =	sand.u32 $0x1, s1  }
0x8c: {  	s17 =	sshll.u32 s0, $0xA;
	s2 =	sadd.s32 s3, s2  }
0x8d: {  	s2 =	sadd.s32 s2, s17  }
0x8e: {  	[smem:$0x3FBC] =	sst s2  }
0x8f: {  	_ = 	snop  }
0x90: {  	(tm) =	ssettm $0x1  }
0x91: {  	s18 =	sld [smem:$0x3FFB];
	_ =	sdelay $0x3  }
0x92: {  	_ =	strace s18  }
0x93: {  	s2 =	sld [smem:$0x3FFC];
	_ =	sdelay $0x3  }
0x94: {  	_ =	strace s2  }
0x95: {  	s2 =	sld [smem:$0x3FFD];
	_ =	sdelay $0x3  }
0x96: {  	_ =	strace s2  }
0x97: {  	_ =	strace $0x8FFFFFFF  }
0x98: {  	s19 =	sld [smem:$0x3FDB];
	_ =	sdelay $0x1  }
0x99: {  	s20 =	simm.s32 $_scs_section_size  }
0x9a: {  	s4 =	simm.s32 $_size__tile_overlayer_lowered;
	s5 =	simm.s32 $_tile_overlayer_lowered  }
0x9b: {  	s6 =	simm.s32 $0x1BFF;
	s21 =	sshll.u32 s5, $0x1;
	s3 =	sadd.s32 s20, s19  }
0x9c: {  	s22 =	simm.s32 $0x0;
	s4 =	sshll.u32 s4, $0x1;
	s5 =	sadd.s32 s21, s3  }
0x9d: {  	[timem:s22], [sflag:s6] =	dma.local [hbm:s5], s4  }
0x9e: {  	_ =	swait.ge [sflag:s6], s4  }
0x9f: {  	s4 =	ssub.s32 $0x0, s4;
	[sflag:s6] =	ssyncset.done $0x0  }
0xa0: {  	[sflag:s6] =	ssyncadd.s32 s4;
	_ =	sdelay $0x1  }
0xa1: {  	s23 =	simm.s32 $0x1B8B  }
0xa2: {  	_ =	swait.ge [sflag:s23], $0x1  }
0xa3: {  	[sflag:s23] =	ssyncset.done $0x0  }
0xa4: {  	[sflag:s23] =	ssyncadd.s32 $0xFFFFFFFF  }
0xa5: {  	s4 =	sld [smem:$0x0]  }
0xa6: {  	s5 =	sand.u32 $0xFFFFFFFE, s1  }
0xa7: {  	p0 =	sne.s32 s1, s5  }
0xa8: {  	s5 =	sshll.u32 @p0 s5, $0xE  }
0xa9: {  	s5 =	sadd.s32 @p0 $0x11B8D, s5;
	s6 =	sshll.u32 @p0 s4, $0x11  }
0xaa: {  	s5 =	sor.u32 @p0 s6, s5  }
0xab: {  	[sflag:s5] =	ssyncadd.remote.s32 @p0 $0x1;
	_ =	sdelay $0x1  }
0xac: {  	s5 =	simm.s32 @p0 $0x1B8D  }
0xad: {  	_ =	swait.eq @p0 [sflag:s5], $0x1  }
0xae: {  	[sflag:s5] =	ssyncadd.s32 @p0 $0xFFFFFFFF  }
0xaf: {  	s6 =	sshll.u32 @!p0 s1, $0xE  }
0xb0: {  	s6 =	sor.u32 @!p0 $0x4000, s6;
	s5 =	simm.s32 @!p0 $0x1B8D  }
0xb1: {  	s4 =	sshll.u32 @!p0 s4, $0x11;
	s6 =	sadd.s32 @!p0 $0x11B8D, s6;
	_ =	swait.eq @!p0 [sflag:s5], $0x1  }
0xb2: {  	s4 =	sor.u32 @!p0 s4, s6;
	[sflag:s5] =	ssyncadd.s32 @!p0 $0xFFFFFFFF  }
0xb3: {  	s25 =	simm.s32 $0x1B8E;
	s24 =	sld [smem:$0x3FFE];
	[sflag:s4] =	ssyncadd.remote.s32 @!p0 $0x1  }
0xb4: {  	s26 =	simm.s32 $execute0_lowered;
	[smem:$0x3FD2] =	sst s25  }
0xb5: {  	s5 =	sshll.u32 s26, $0x1;
	_ =	strace $0x80000049;
	[dreg:$0x1] =	wrdreg $0xFFFFFFFF  }
0xb6: {  	s28 =	simm.s32 $_size_execute0_lowered;
	s3 =	sadd.s32 s3, s5;
	[dreg:$0x0] =	wrdreg $0x0  }
0xb7: {  	s5 =	sshll.u32 s28, $0x1;
	[dreg:$0x2] =	wrdreg s3  }
0xb8: {  	[dreg:$0x3] =	wrdreg s5  }
0xb9: {  	[dreg:$0x4] =	wrdreg $0xC0  }
0xba: {  	_ =	task [dreg:s22], $0x5FFFF  }
0xbb: {  	[dreg:$0x1] =	wrdreg $0xFFFFFFFF  }
0xbc: {  	[dreg:$0x0] =	wrdreg $0x60  }
0xbd: {  	[dreg:$0x2] =	wrdreg s24  }
0xbe: {  	[dreg:$0x3] =	wrdreg $0x43D00  }
0xbf: {  	[dreg:$0x4] =	wrdreg $0x9  }
0xc0: {  	_ =	task.clear_ibuf [dreg:s22], $0x5FFFF;
	_ =	strace $0x90000049  }
0xc1: {  	s29 =	simm.s32 $0x9;
	_ =	strace $0x8000004B  }
0xc2: {  	_ =	swait.ge [sflag:s29], $0x1  }
0xc3: {  	[sflag:s29] =	ssyncadd.s32 $0xFFFFFFFF  }
0xc4: {  	_ =	strace $0x9000004B  }
0xc5: {  	_ =	sfence  }
0xc6: {  	s30 =	sld [smem:$0x0];
	_ =	sdelay $0x2  }
0xc7: {  	s31 =	sshll.u32 s1, $0xD;
	s1 =	sshrl.u32 s1, $0x2  }
0xc8: {  	s4 =	sand.u32 $0x4000, s31;
	s1 =	sadd.s32 s1, s30  }
0xc9: {  	s0 =	sor.u32 s4, s0;
	s1 =	sshll.u32 s1, $0x11  }
0xca: {  	s0 =	sor.u32 s1, s0  }
0xcb: {  	s0 =	sadd.s32 $0x8F2B, s0  }
0xcc: {  	[sflag:s0] =	ssyncadd.remote.s32 $0x1  }
0xcd: {  	_ =	sfence.sel $0xFFFF  }
0xce: {  	[dreg:$0x0] =	wrdreg $0xFFFFFFFF;
	(pc) =	sbr.abs _section_cstart, $3  }
0xcf: {  	[dreg:$0x1] =	wrdreg $0xFFFFFFFF  }
0xd0: {  	_ =	task.clear_ibuf [dreg:s22], $0x2FFFF;
	_ =	strace $0x9FFFFFFF  }
0xd1: {  	(tm) =	ssettm $0x7FFFFFFF  }
tec
execute0_lowered:
.L_overlay_start_1:
0x0: {  	(tag) =	ssettag $0x1  }
0x1: {  	s0 =	srdreg.scid;
	s1 =	rddreg [dreg:$0x0]  }
0x2: {  	s7 =	stileid.u32;
	s2 =	rddreg [dreg:$0x1];
	s9 =	simm.s32 $0x7D  }
0x3: {  	s10 =	simm.s32 $0x1400;
	s11 =	simm.s32 $0xB80;
	s12 =	simm.s32 $0xC00  }
0x4: {  	s13 =	simm.s32 $0xC80;
	s14 =	simm.s32 $0xD00;
	s15 =	simm.s32 $0xD80  }
0x5: {  	s16 =	simm.s32 $0xE00;
	s17 =	simm.s32 $0xE80;
	s18 =	simm.s32 $0xF00  }
0x6: {  	s19 =	simm.s32 $0xF80;
	s20 =	simm.s32 $0x1000;
	s21 =	simm.s32 $0x1080  }
0x7: {  	s22 =	simm.s32 $0x1100;
	s23 =	simm.s32 $0x1180;
	s25 =	simm.s32 $0x1200  }
0x8: {  	s26 =	simm.s32 $0x1280;
	s28 =	simm.s32 $0x1300;
	s29 =	simm.s32 $0x1380  }
0x9: {  	s30 =	simm.s32 $0x1;
	s0 =	sand.u32 $0x1, s0;
	s3 =	sshll.u32 s7, $0x1  }
0xa: {  	s31 =	simm.s32 $0x0;
	s7 =	smul.u32 $0x2800, s7;
	s4 =	sor.u32 s0, s3  }
0xb: {  	s3 =	simm.s32 $0x0;
	s5 =	smul.u32 $0x5000, s0;
	s0 =	ssub.s32 $0x2, s0  }
0xc: {  	s4 =	smul.u32 $0x280, s4;
	[smem:$0x7FF] =	sst s3;
	s6 =	sshrl.u32 s0, $0x1  }
0xd: {  	s8 =	sshrl.u32 s7, $0x3;
	_ =	strace $0x8000004A;
	s0 =	ssub.s32 s0, s6  }
0xe: {  	s4 =	sadd.s32 s4, s1;
	s1 =	sadd.s32 s5, s1;
	s5 =	sadd.s32 s7, s2  }
0xf: {  	s6 =	smax.u32 s0, $0x1;
	s7 =	simm.s32 $0x2;
	s1 =	sadd.s32 $0x60600, s1  }
0x10: {  	v0 =	vimm.f32 $1.000000000e+00;
	v1 =	vimm.f32 $0.0e+00;
	s4 =	sadd.s32 $0x5B600, s4;
	s24 =	sadd.s32 s8, s1;
	s8 =	simm.s32 $0xB00  }
.LBB2_1:
0x11: {  	[tilespmem:s3], [sflag:$0x2] =	stream.linear.gather [hbm4b:s4+s3], $0x1400, $0x38;
	[tilespmem:$0x6BD0] =	vst v63  }
0x12: {  	_ =	swait.ge [sflag:s7], $0x1400  }
0x13: {  	[sflag:s7] =	ssyncset.done $0x0  }
0x14: {  	s0 =	simm.s32 $0x0;
	[sflag:s7] =	ssyncadd.s32 $0xFFFFEC00  }
.LBB2_2:
0x15: {  	p0 =	sne.s32 s0, $0x1F00  }
.Ltmp0:
0x16: {  	_ = 	snop;
	(pc) =	sbr.rel @p0 .LBB2_2-.Ltmp0, $3  }
0x17: {  	_ =	sdelay $0x1  }
0x18: {  	s1 =	sshra.s32 s0, $0x2  }
0x19: {  	s0 =	sadd.s32 $0x40, s0;
	[tilespmem:s1+$0x1400] =	vst v0  }
0x1a: {  	s1 =	simm.s32 $0x40;
	s0 =	simm.s32 $0x0  }
.LBB2_4:
0x1b: {  	p0 =	sne.s32 s1, $0x9FC0;
	[tilespmem:s0+$0x1BD0] =	vst v1;
	s0 =	smov.u32 s1;
	s1 =	sadd.s32 $0x40, s1  }
.Ltmp1:
0x1c: {  	(pc) =	sbr.rel @p0 .LBB2_4-.Ltmp1, $2  }
0x1d: {  	_ =	sdelay $0x2  }
0x1e: {  	s0 =	sshra.s32 s0, $0x2  }
0x1f: {  	[tilespmem:s0+$0x1BD0] =	vst v1;
	s1 =	simm.s32 $0x1BD0  }
0x20: {  	[spmem:s5] =	stream.linear.scatter [tilespmem:s1], [sflag:$0x2], $0x2800, $0x38;
	[tilespmem:$0x6BD0] =	vst v63  }
0x21: {  	_ =	swait.ge [sflag:s7], $0x2800  }
0x22: {  	[sflag:s7] =	ssyncset.done $0x0  }
0x23: {  	[sflag:s7] =	ssyncadd.s32 $0xFFFFD800  }
0x24: {  	[bflag:$0x0] =	sbarrier.arrive $0xFFFF  }
0x25: {  	[spmem:s2] =	stream.indirect.scatter.add.f32 [tilespmem:s10], [sflag:$0x1], $0x10, s3, s9, $0xb8;
	[tilespmem:$0x6BD0] =	vst v63  }
0x26: {  	s1 =	simm.s32 $0x80  }
0x27: {  	[spmem:s2] =	stream.indirect.scatter.add.f32 [tilespmem:s10], [sflag:$0x1], $0x10, s1, s9, $0xb8;
	[tilespmem:$0x6BD0] =	vst v63  }
0x28: {  	s1 =	simm.s32 $0x100  }
0x29: {  	[spmem:s2] =	stream.indirect.scatter.add.f32 [tilespmem:s10], [sflag:$0x1], $0x10, s1, s9, $0xb8;
	[tilespmem:$0x6BD0] =	vst v63  }
0x2a: {  	s1 =	simm.s32 $0x180  }
0x2b: {  	[spmem:s2] =	stream.indirect.scatter.add.f32 [tilespmem:s10], [sflag:$0x1], $0x10, s1, s9, $0xb8;
	[tilespmem:$0x6BD0] =	vst v63  }
0x2c: {  	s1 =	simm.s32 $0x200  }
0x2d: {  	[spmem:s2] =	stream.indirect.scatter.add.f32 [tilespmem:s10], [sflag:$0x1], $0x10, s1, s9, $0xb8;
	[tilespmem:$0x6BD0] =	vst v63  }
0x2e: {  	s1 =	simm.s32 $0x280  }
0x2f: {  	[spmem:s2] =	stream.indirect.scatter.add.f32 [tilespmem:s10], [sflag:$0x1], $0x10, s1, s9, $0xb8;
	[tilespmem:$0x6BD0] =	vst v63  }
0x30: {  	s1 =	simm.s32 $0x300  }
0x31: {  	[spmem:s2] =	stream.indirect.scatter.add.f32 [tilespmem:s10], [sflag:$0x1], $0x10, s1, s9, $0xb8;
	[tilespmem:$0x6BD0] =	vst v63  }
0x32: {  	s1 =	simm.s32 $0x380  }
0x33: {  	[spmem:s2] =	stream.indirect.scatter.add.f32 [tilespmem:s10], [sflag:$0x1], $0x10, s1, s9, $0xb8;
	[tilespmem:$0x6BD0] =	vst v63  }
0x34: {  	s1 =	simm.s32 $0x400  }
0x35: {  	[spmem:s2] =	stream.indirect.scatter.add.f32 [tilespmem:s10], [sflag:$0x1], $0x10, s1, s9, $0xb8;
	[tilespmem:$0x6BD0] =	vst v63  }
0x36: {  	s1 =	simm.s32 $0x480  }
0x37: {  	[spmem:s2] =	stream.indirect.scatter.add.f32 [tilespmem:s10], [sflag:$0x1], $0x10, s1, s9, $0xb8;
	[tilespmem:$0x6BD0] =	vst v63  }
0x38: {  	s1 =	simm.s32 $0x500  }
0x39: {  	[spmem:s2] =	stream.indirect.scatter.add.f32 [tilespmem:s10], [sflag:$0x1], $0x10, s1, s9, $0xb8;
	[tilespmem:$0x6BD0] =	vst v63  }
0x3a: {  	s1 =	simm.s32 $0x580  }
0x3b: {  	[spmem:s2] =	stream.indirect.scatter.add.f32 [tilespmem:s10], [sflag:$0x1], $0x10, s1, s9, $0xb8;
	[tilespmem:$0x6BD0] =	vst v63  }
0x3c: {  	s1 =	simm.s32 $0x600  }
0x3d: {  	[spmem:s2] =	stream.indirect.scatter.add.f32 [tilespmem:s10], [sflag:$0x1], $0x10, s1, s9, $0xb8;
	[tilespmem:$0x6BD0] =	vst v63  }
0x3e: {  	s1 =	simm.s32 $0x680  }
0x3f: {  	[spmem:s2] =	stream.indirect.scatter.add.f32 [tilespmem:s10], [sflag:$0x1], $0x10, s1, s9, $0xb8;
	[tilespmem:$0x6BD0] =	vst v63  }
0x40: {  	s1 =	simm.s32 $0x700  }
0x41: {  	[spmem:s2] =	stream.indirect.scatter.add.f32 [tilespmem:s10], [sflag:$0x1], $0x10, s1, s9, $0xb8;
	[tilespmem:$0x6BD0] =	vst v63  }
0x42: {  	s1 =	simm.s32 $0x780  }
0x43: {  	[spmem:s2] =	stream.indirect.scatter.add.f32 [tilespmem:s10], [sflag:$0x1], $0x10, s1, s9, $0xb8;
	[tilespmem:$0x6BD0] =	vst v63  }
0x44: {  	s1 =	simm.s32 $0x800  }
0x45: {  	[spmem:s2] =	stream.indirect.scatter.add.f32 [tilespmem:s10], [sflag:$0x1], $0x10, s1, s9, $0xb8;
	[tilespmem:$0x6BD0] =	vst v63  }
0x46: {  	s1 =	simm.s32 $0x880  }
0x47: {  	[spmem:s2] =	stream.indirect.scatter.add.f32 [tilespmem:s10], [sflag:$0x1], $0x10, s1, s9, $0xb8;
	[tilespmem:$0x6BD0] =	vst v63  }
0x48: {  	s1 =	simm.s32 $0x900  }
0x49: {  	[spmem:s2] =	stream.indirect.scatter.add.f32 [tilespmem:s10], [sflag:$0x1], $0x10, s1, s9, $0xb8;
	[tilespmem:$0x6BD0] =	vst v63  }
0x4a: {  	s1 =	simm.s32 $0x980  }
0x4b: {  	[spmem:s2] =	stream.indirect.scatter.add.f32 [tilespmem:s10], [sflag:$0x1], $0x10, s1, s9, $0xb8;
	[tilespmem:$0x6BD0] =	vst v63  }
0x4c: {  	s1 =	simm.s32 $0xA00  }
0x4d: {  	[spmem:s2] =	stream.indirect.scatter.add.f32 [tilespmem:s10], [sflag:$0x1], $0x10, s1, s9, $0xb8;
	[tilespmem:$0x6BD0] =	vst v63  }
0x4e: {  	s1 =	simm.s32 $0xA80  }
0x4f: {  	[spmem:s2] =	stream.indirect.scatter.add.f32 [tilespmem:s10], [sflag:$0x1], $0x10, s1, s9, $0xb8;
	[tilespmem:$0x6BD0] =	vst v63  }
0x50: {  	_ = 	snop  }
0x51: {  	[spmem:s2] =	stream.indirect.scatter.add.f32 [tilespmem:s10], [sflag:$0x1], $0x10, s8, s9, $0xb8;
	[tilespmem:$0x6BD0] =	vst v63  }
0x52: {  	_ = 	snop  }
0x53: {  	[spmem:s2] =	stream.indirect.scatter.add.f32 [tilespmem:s10], [sflag:$0x1], $0x10, s11, s9, $0xb8;
	[tilespmem:$0x6BD0] =	vst v63  }
0x54: {  	_ = 	snop  }
0x55: {  	[spmem:s2] =	stream.indirect.scatter.add.f32 [tilespmem:s10], [sflag:$0x1], $0x10, s12, s9, $0xb8;
	[tilespmem:$0x6BD0] =	vst v63  }
0x56: {  	_ = 	snop  }
0x57: {  	[spmem:s2] =	stream.indirect.scatter.add.f32 [tilespmem:s10], [sflag:$0x1], $0x10, s13, s9, $0xb8;
	[tilespmem:$0x6BD0] =	vst v63  }
0x58: {  	_ = 	snop  }
0x59: {  	[spmem:s2] =	stream.indirect.scatter.add.f32 [tilespmem:s10], [sflag:$0x1], $0x10, s14, s9, $0xb8;
	[tilespmem:$0x6BD0] =	vst v63  }
0x5a: {  	_ = 	snop  }
0x5b: {  	[spmem:s2] =	stream.indirect.scatter.add.f32 [tilespmem:s10], [sflag:$0x1], $0x10, s15, s9, $0xb8;
	[tilespmem:$0x6BD0] =	vst v63  }
0x5c: {  	_ = 	snop  }
0x5d: {  	[spmem:s2] =	stream.indirect.scatter.add.f32 [tilespmem:s10], [sflag:$0x1], $0x10, s16, s9, $0xb8;
	[tilespmem:$0x6BD0] =	vst v63  }
0x5e: {  	_ = 	snop  }
0x5f: {  	[spmem:s2] =	stream.indirect.scatter.add.f32 [tilespmem:s10], [sflag:$0x1], $0x10, s17, s9, $0xb8;
	[tilespmem:$0x6BD0] =	vst v63  }
0x60: {  	_ = 	snop  }
0x61: {  	[spmem:s2] =	stream.indirect.scatter.add.f32 [tilespmem:s10], [sflag:$0x1], $0x10, s18, s9, $0xb8;
	[tilespmem:$0x6BD0] =	vst v63  }
0x62: {  	_ = 	snop  }
0x63: {  	[spmem:s2] =	stream.indirect.scatter.add.f32 [tilespmem:s10], [sflag:$0x1], $0x10, s19, s9, $0xb8;
	[tilespmem:$0x6BD0] =	vst v63  }
0x64: {  	_ = 	snop  }
0x65: {  	[spmem:s2] =	stream.indirect.scatter.add.f32 [tilespmem:s10], [sflag:$0x1], $0x10, s20, s9, $0xb8;
	[tilespmem:$0x6BD0] =	vst v63  }
0x66: {  	_ = 	snop  }
0x67: {  	[spmem:s2] =	stream.indirect.scatter.add.f32 [tilespmem:s10], [sflag:$0x1], $0x10, s21, s9, $0xb8;
	[tilespmem:$0x6BD0] =	vst v63  }
0x68: {  	_ = 	snop  }
0x69: {  	[spmem:s2] =	stream.indirect.scatter.add.f32 [tilespmem:s10], [sflag:$0x1], $0x10, s22, s9, $0xb8;
	[tilespmem:$0x6BD0] =	vst v63  }
0x6a: {  	_ = 	snop  }
0x6b: {  	[spmem:s2] =	stream.indirect.scatter.add.f32 [tilespmem:s10], [sflag:$0x1], $0x10, s23, s9, $0xb8;
	[tilespmem:$0x6BD0] =	vst v63  }
0x6c: {  	_ = 	snop  }
0x6d: {  	[spmem:s2] =	stream.indirect.scatter.add.f32 [tilespmem:s10], [sflag:$0x1], $0x10, s25, s9, $0xb8;
	[tilespmem:$0x6BD0] =	vst v63  }
0x6e: {  	_ = 	snop  }
0x6f: {  	[spmem:s2] =	stream.indirect.scatter.add.f32 [tilespmem:s10], [sflag:$0x1], $0x10, s26, s9, $0xb8;
	[tilespmem:$0x6BD0] =	vst v63  }
0x70: {  	_ = 	snop  }
0x71: {  	[spmem:s2] =	stream.indirect.scatter.add.f32 [tilespmem:s10], [sflag:$0x1], $0x10, s28, s9, $0xb8;
	[tilespmem:$0x6BD0] =	vst v63  }
0x72: {  	_ = 	snop  }
0x73: {  	[spmem:s2] =	stream.indirect.scatter.add.f32 [tilespmem:s10], [sflag:$0x1], $0x10, s29, s9, $0xb8;
	[tilespmem:$0x6BD0] =	vst v63  }
0x74: {  	_ =	swait.ge [sflag:s30], $0x7D0  }
0x75: {  	s1 =	simm.s32 $0x27;
	[sflag:s30] =	ssyncset.done $0x0  }
.LBB2_6:
0x76: {  	p0 =	sne.s32 s1, $0x1;
	s1 =	sadd.s32 $0xFFFFFFFF, s1;
	[sflag:s30] =	ssyncadd.s32 $0xFFFFF830  }
.Ltmp2:
0x77: {  	(pc) =	sbr.rel @p0 .LBB2_6-.Ltmp2, $3  }
0x78: {  	_ =	sdelay $0x1  }
0x79: {  	_ =	swait.ge [sflag:s30], $0x7D0  }
0x7a: {  	[sflag:s30] =	ssyncset.done $0x0  }
0x7b: {  	[sflag:s30] =	ssyncadd.s32 $0xFFFFF830;
	s0 =	stileid.u32;
	s31 =	sadd.s32 $0x1, s31  }
0x7c: {  	s1 =	sshrl.u32 s5, $0x3;
	s0 =	sshll.u32 s0, $0x6;
	p0 =	sne.s32 s31, s6  }
.Ltmp3:
0x7d: {  	[bflag:$0x0] =	sbarrier.arrive $0xFFFF;
	s0 =	sor.u32 $0x1C02, s0;
	(pc) =	sbr.rel @p0 .LBB2_1-.Ltmp3, $4  }
0x7e: {  	[hbm:s24], [sflag:s0] =	dma.local [spmem:s1], $0x500  }
0x7f: {  	_ =	swait.ge [sflag:s7], $0x500  }
0x80: {  	[sflag:s7] =	ssyncset.done $0x0  }
0x81: {  	[sflag:s7] =	ssyncadd.s32 $0xFFFFFB00  }
0x82: {  	_ =	sfence.sel $0x180000  }
0x83: {  	[bflag:$0x0] =	sbarrier.arrive $0xFFFF  }
0x84: {  	_ =	strace $0x9000004A  }
0x85: {  	s0 =	stileid.u32;
	[bflag:$0x2] =	sbarrier.arrive $0xFFFF  }
0x86: {  	p0 =	sne.s32 s0, $0x0;
	s0 =	rddreg [dreg:$0x2]  }
0x87: {  	s0 =	sadd.s32 @!p0 $0x100000, s0  }
0x88: {  	[sflag:s0] =	ssyncadd.tile.s32 @!p0 $0x1;
	_ =	shalt  }
.Lfunc_end2:
_tile_overlayer_lowered:
.L_overlay_start_2:
0x89: {  	(tag) =	ssettag $0x2  }
0x8a: {  	s0 =	rddreg [dreg:$0x0];
	s2 =	stileid.u32  }
0x8b: {  	s1 =	rddreg [dreg:$0x1];
	p0 =	sne.s32 s2, $0x0  }
0x8c: {  	s3 =	rddreg [dreg:$0x2];
	[bflag:$0x3] =	sbarrier.arrive $0xFFFF;
	s2 =	simm.s32 @!p0 $0x1C02  }
0x8d: {  	[timem:s3], [sflag:s2] =	dma.local @!p0 [hbm:s0], s1  }
0x8e: {  	s0 =	simm.s32 @!p0 $0x2  }
0x8f: {  	_ =	swait.ge @!p0 [sflag:s0], s1  }
0x90: {  	s1 =	ssub.s32 @!p0 $0x0, s1;
	[sflag:s0] =	ssyncset.done @!p0 $0x0  }
0x91: {  	[sflag:s0] =	ssyncadd.s32 @!p0 s1  }
0x92: {  	[bflag:$0x3] =	sbarrier.arrive $0xFFFF  }
0x93: {  	_ =	shalt  }

// kernel: kernel.17.cloned.1.call-start
scs
__scs_entry_jumppad:
0x0: {  	(pc) =	sbr.rel $0x88, $3  }
0x1: {  	(tag) =	ssettag $0x0;
	lr =	simm.s32 $0x1  }
0x2: {  	[smem:$0x3F95] =	sst lr;
	_ =	strace $0xD0000000  }
0x3: {  	_ = 	snop  }
0x4: {  	_ = 	snop  }
0x5: {  	_ = 	snop  }
0x6: {  	_ = 	snop  }
0x7: {  	_ = 	snop  }
__scs_overlays_trampoline_lowered:
0x8: {  	[smem:$0x3FA4] =	sst s0  }
0x9: {  	[smem:$0x3FA5] =	sst s1  }
0xa: {  	[smem:$0x3FA6] =	sst s2  }
0xb: {  	[smem:$0x3FA7] =	sst s3  }
0xc: {  	[smem:$0x3FA8] =	sst s4  }
0xd: {  	[smem:$0x3FA9] =	sst s5  }
0xe: {  	[smem:$0x3FAA] =	sst s6  }
0xf: {  	[smem:$0x3FAB] =	sst s7  }
0x10: {  	[smem:$0x3FAC] =	sst s8  }
0x11: {  	[smem:$0x3FAD] =	sst s9;
	s0 =	simm.s32 @!p0 $0x0  }
0x12: {  	s1 =	sld [smem:$0x3F93];
	s0 =	simm.s32 @p0 $0x1  }
0x13: {  	[smem:$0x3FAE] =	sst s0;
	s0 =	simm.s32 @!p1 $0x0  }
0x14: {  	s2 =	sld [smem:$0x3F92];
	s0 =	simm.s32 @p1 $0x1  }
0x15: {  	[smem:$0x3FAF] =	sst s0;
	s0 =	simm.s32 @!p2 $0x0  }
0x16: {  	s3 =	sld [smem:$0x3FDB];
	s0 =	simm.s32 @p2 $0x1  }
0x17: {  	s4 =	simm.s32 $0x1BF5;
	[smem:$0x3FB1] =	sst s0  }
0x18: {  	s0 =	sld [smem:$0x3F94];
	_ =	swait.ge [sflag:s4], $0x0  }
0x19: {  	s7 =	sld [smem:$0x3F95]  }
0x1a: {  	s8 =	sadd.s32 $0xFFFFE003, lr  }
0x1b: {  	s9 =	sadd.s32 $0xFFFFFEF7, lr;
	s5 =	simm.s32 $0xFFFFFFFF;
	p2 =	slt.u32 s8, $0xFFFFF086  }
0x1c: {  	p1 =	slt.u32 s9, $0xF7A;
	s5 =	simm.s32 @!p2 $0x0  }
0x1d: {  	s5 =	simm.s32 @p1 $0x1;
	p0 =	seq.s32 s7, s2  }
0x1e: {  	s7 =	smul.u32 @!p0 $0xF7A, s2;
	p2 =	seq.s32 @!p0 s5, $0x0  }
0x1f: {  	s9 =	smul.u32 $0xF7A, s1;
	s8 =	simm.s32 @!p0 $0x1BF5;
	p2 =	por !p2, p0  }
0x20: {  	[sflag:s8] =	ssyncset.s32 @!p0 $0xFFFFF086;
	s6 =	sadd.s32 @!p0 s3, s7;
	s7 =	simm.s32 @!p0 $0x108  }
0x21: {  	s3 =	sadd.s32 s3, s9;
	s6 =	sadd.s32 @!p0 $0x88, s6;
	s7 =	simm.s32 @p2 $0x1082  }
0x22: {  	[simem:s7], [sflag:s8] =	dma.local @!p0 [hbm:s6], $0xF7A  }
0x23: {  	s9 =	sor.u32 $0xD0000000, s2;
	s6 =	simm.s32 $0x108;
	_ =	swait.ge @!p0 [sflag:s8], $0x0  }
0x24: {  	s3 =	sadd.s32 $0x88, s3;
	s6 =	simm.s32 @!p1 $0x1082;
	[sflag:s4] =	ssyncset.s32 $0xFFFFF086  }
0x25: {  	[simem:s6], [sflag:s4] =	dma.local [hbm:s3], $0xF7A  }
0x26: {  	[smem:$0x3F95] =	sst s1;
	(tag) =	ssettag s2;
	_ =	strace s9  }
0x27: {  	s1 =	sld [smem:$0x3FA5]  }
0x28: {  	s2 =	sld [smem:$0x3FA6]  }
0x29: {  	s4 =	sld [smem:$0x3FA8]  }
0x2a: {  	p0 =	seq.s32 s5, $0x0;
	s5 =	sld [smem:$0x3FA9]  }
0x2b: {  	s6 =	sld [smem:$0x3FAA]  }
0x2c: {  	s7 =	sld [smem:$0x3FAB]  }
0x2d: {  	s3 =	simm.s32 $0x108;
	s8 =	sld [smem:$0x3FAC]  }
0x2e: {  	s3 =	simm.s32 @!p0 $0x1082;
	s9 =	sld [smem:$0x3FAD]  }
0x2f: {  	lr =	sadd.s32 s0, s3;
	s0 =	sld [smem:$0x3FA4]  }
0x30: {  	s3 =	sld [smem:$0x3FA7]  }
0x31: {  	[smem:$0x3FB0] =	sst s10  }
0x32: {  	s10 =	sld [smem:$0x3FAE];
	_ =	sdelay $0x3  }
0x33: {  	p0 =	seq.s32 s10, $0x1;
	s10 =	sld [smem:$0x3FB0];
	_ =	sdelay $0x3  }
0x34: {  	[smem:$0x3FB0] =	sst s10  }
0x35: {  	s10 =	sld [smem:$0x3FAF];
	_ =	sdelay $0x3  }
0x36: {  	p1 =	seq.s32 s10, $0x1;
	s10 =	sld [smem:$0x3FB0];
	_ =	sdelay $0x3  }
0x37: {  	[smem:$0x3FB0] =	sst s10  }
0x38: {  	s10 =	sld [smem:$0x3FB1]  }
0x39: {  	_ = 	snop;
	(pc) =	sbr.ind lr, $3  }
0x3a: {  	_ = 	snop  }
0x3b: {  	_ = 	snop  }
0x3c: {  	p2 =	seq.s32 s10, $0x1;
	s10 =	sld [smem:$0x3FB0]  }
0x3d: {  	_ =	shalt  }
0x3e: {  	_ =	shalt  }
0x3f: {  	_ =	shalt  }
0x40: {  	_ =	shalt  }
0x41: {  	_ =	shalt  }
0x42: {  	_ =	shalt  }
0x43: {  	_ =	shalt  }
0x44: {  	_ =	shalt  }
0x45: {  	_ =	shalt  }
0x46: {  	_ =	shalt  }
0x47: {  	_ =	shalt  }
0x48: {  	_ =	shalt  }
0x49: {  	_ =	shalt  }
0x4a: {  	_ =	shalt  }
0x4b: {  	_ =	shalt  }
0x4c: {  	_ =	shalt  }
0x4d: {  	_ =	shalt  }
0x4e: {  	_ =	shalt  }
0x4f: {  	_ =	shalt  }
0x50: {  	_ =	shalt  }
0x51: {  	_ =	shalt  }
0x52: {  	_ =	shalt  }
0x53: {  	_ =	shalt  }
0x54: {  	_ =	shalt  }
0x55: {  	_ =	shalt  }
0x56: {  	_ =	shalt  }
0x57: {  	_ =	shalt  }
0x58: {  	_ =	shalt  }
0x59: {  	_ =	shalt  }
0x5a: {  	_ =	shalt  }
0x5b: {  	_ =	shalt  }
0x5c: {  	_ =	shalt  }
0x5d: {  	_ =	shalt  }
0x5e: {  	_ =	shalt  }
0x5f: {  	_ =	shalt  }
0x60: {  	_ =	shalt  }
0x61: {  	_ =	shalt  }
0x62: {  	_ =	shalt  }
0x63: {  	_ =	shalt  }
0x64: {  	_ =	shalt  }
0x65: {  	_ =	shalt  }
0x66: {  	_ =	shalt  }
0x67: {  	_ =	shalt  }
0x68: {  	_ =	shalt  }
0x69: {  	_ =	shalt  }
0x6a: {  	_ =	shalt  }
0x6b: {  	_ =	shalt  }
0x6c: {  	_ =	shalt  }
0x6d: {  	_ =	shalt  }
0x6e: {  	_ =	shalt  }
0x6f: {  	_ =	shalt  }
0x70: {  	_ =	shalt  }
0x71: {  	_ =	shalt  }
0x72: {  	_ =	shalt  }
0x73: {  	_ =	shalt  }
0x74: {  	_ =	shalt  }
0x75: {  	_ =	shalt  }
0x76: {  	_ =	shalt  }
0x77: {  	_ =	shalt  }
0x78: {  	_ =	shalt  }
0x79: {  	_ =	shalt  }
0x7a: {  	_ =	shalt  }
0x7b: {  	_ =	shalt  }
0x7c: {  	_ =	shalt  }
0x7d: {  	_ =	shalt  }
0x7e: {  	_ =	shalt  }
0x7f: {  	_ =	shalt  }
0x80: {  	_ =	shalt  }
0x81: {  	_ =	shalt  }
0x82: {  	_ =	shalt  }
0x83: {  	_ =	shalt  }
0x84: {  	_ =	shalt  }
0x85: {  	_ =	shalt  }
0x86: {  	_ =	shalt  }
0x87: {  	_ =	shalt  }
.Lfunc_end0:
.L_simem_size_0:
called_computation.2_lowered:
.L_overlay_start_0:
0x88: {  	s2 =	sld [smem:$0x3FD9]  }
0x89: {  	s3 =	sld [smem:$0x3FFE];
	_ =	sdelay $0x1  }
0x8a: {  	s1 =	srdreg.scid  }
0x8b: {  	s0 =	sand.u32 $0x1, s1  }
0x8c: {  	s17 =	sshll.u32 s0, $0xA;
	s2 =	sadd.s32 s3, s2  }
0x8d: {  	s2 =	sadd.s32 s2, s17  }
0x8e: {  	[smem:$0x3FBC] =	sst s2  }
0x8f: {  	_ = 	snop  }
0x90: {  	(tm) =	ssettm $0x1  }
0x91: {  	s18 =	sld [smem:$0x3FFB];
	_ =	sdelay $0x3  }
0x92: {  	_ =	strace s18  }
0x93: {  	s2 =	sld [smem:$0x3FFC];
	_ =	sdelay $0x3  }
0x94: {  	_ =	strace s2  }
0x95: {  	s2 =	sld [smem:$0x3FFD];
	_ =	sdelay $0x3  }
0x96: {  	_ =	strace s2  }
0x97: {  	_ =	strace $0x8FFFFFFF  }
0x98: {  	s19 =	sld [smem:$0x3FDB];
	_ =	sdelay $0x1  }
0x99: {  	s20 =	simm.s32 $_scs_section_size  }
0x9a: {  	s4 =	simm.s32 $_size__tile_overlayer_lowered;
	s5 =	simm.s32 $_tile_overlayer_lowered  }
0x9b: {  	s6 =	simm.s32 $0x1BFF;
	s21 =	sshll.u32 s5, $0x1;
	s3 =	sadd.s32 s20, s19  }
0x9c: {  	s22 =	simm.s32 $0x0;
	s4 =	sshll.u32 s4, $0x1;
	s5 =	sadd.s32 s21, s3  }
0x9d: {  	[timem:s22], [sflag:s6] =	dma.local [hbm:s5], s4  }
0x9e: {  	_ =	swait.ge [sflag:s6], s4  }
0x9f: {  	s4 =	ssub.s32 $0x0, s4;
	[sflag:s6] =	ssyncset.done $0x0  }
0xa0: {  	[sflag:s6] =	ssyncadd.s32 s4;
	_ =	sdelay $0x1  }
0xa1: {  	s23 =	simm.s32 $0x1B8B  }
0xa2: {  	_ =	swait.ge [sflag:s23], $0x1  }
0xa3: {  	[sflag:s23] =	ssyncset.done $0x0  }
0xa4: {  	[sflag:s23] =	ssyncadd.s32 $0xFFFFFFFF  }
0xa5: {  	s4 =	sld [smem:$0x0]  }
0xa6: {  	s5 =	sand.u32 $0xFFFFFFFE, s1  }
0xa7: {  	p0 =	sne.s32 s1, s5  }
0xa8: {  	s5 =	sshll.u32 @p0 s5, $0xE  }
0xa9: {  	s5 =	sadd.s32 @p0 $0x11B8D, s5;
	s6 =	sshll.u32 @p0 s4, $0x11  }
0xaa: {  	s5 =	sor.u32 @p0 s6, s5  }
0xab: {  	[sflag:s5] =	ssyncadd.remote.s32 @p0 $0x1;
	_ =	sdelay $0x1  }
0xac: {  	s5 =	simm.s32 @p0 $0x1B8D  }
0xad: {  	_ =	swait.eq @p0 [sflag:s5], $0x1  }
0xae: {  	[sflag:s5] =	ssyncadd.s32 @p0 $0xFFFFFFFF  }
0xaf: {  	s6 =	sshll.u32 @!p0 s1, $0xE  }
0xb0: {  	s6 =	sor.u32 @!p0 $0x4000, s6;
	s5 =	simm.s32 @!p0 $0x1B8D  }
0xb1: {  	s4 =	sshll.u32 @!p0 s4, $0x11;
	s6 =	sadd.s32 @!p0 $0x11B8D, s6;
	_ =	swait.eq @!p0 [sflag:s5], $0x1  }
0xb2: {  	s4 =	sor.u32 @!p0 s4, s6;
	[sflag:s5] =	ssyncadd.s32 @!p0 $0xFFFFFFFF  }
0xb3: {  	s25 =	simm.s32 $0x1B8E;
	s24 =	sld [smem:$0x3FFE];
	[sflag:s4] =	ssyncadd.remote.s32 @!p0 $0x1  }
0xb4: {  	s26 =	simm.s32 $execute0_lowered;
	[smem:$0x3FD2] =	sst s25  }
0xb5: {  	s5 =	sshll.u32 s26, $0x1;
	_ =	strace $0x8000004C;
	[dreg:$0x1] =	wrdreg $0xFFFFFFFF  }
0xb6: {  	s28 =	simm.s32 $_size_execute0_lowered;
	s3 =	sadd.s32 s3, s5;
	[dreg:$0x0] =	wrdreg $0x0  }
0xb7: {  	s5 =	sshll.u32 s28, $0x1;
	[dreg:$0x2] =	wrdreg s3  }
0xb8: {  	[dreg:$0x3] =	wrdreg s5  }
0xb9: {  	[dreg:$0x4] =	wrdreg $0xC0  }
0xba: {  	_ =	task [dreg:s22], $0x5FFFF  }
0xbb: {  	[dreg:$0x1] =	wrdreg $0xFFFFFFFF  }
0xbc: {  	[dreg:$0x0] =	wrdreg $0x60  }
0xbd: {  	[dreg:$0x2] =	wrdreg s24  }
0xbe: {  	[dreg:$0x3] =	wrdreg $0x174800  }
0xbf: {  	[dreg:$0x4] =	wrdreg $0xA  }
0xc0: {  	_ =	task.clear_ibuf [dreg:s22], $0x5FFFF;
	_ =	strace $0x9000004C  }
0xc1: {  	s29 =	simm.s32 $0xA;
	_ =	strace $0x8000004E  }
0xc2: {  	_ =	swait.ge [sflag:s29], $0x1  }
0xc3: {  	[sflag:s29] =	ssyncadd.s32 $0xFFFFFFFF  }
0xc4: {  	_ =	strace $0x9000004E  }
0xc5: {  	_ =	sfence  }
0xc6: {  	s30 =	sld [smem:$0x0];
	_ =	sdelay $0x2  }
0xc7: {  	s31 =	sshll.u32 s1, $0xD;
	s1 =	sshrl.u32 s1, $0x2  }
0xc8: {  	s4 =	sand.u32 $0x4000, s31;
	s1 =	sadd.s32 s1, s30  }
0xc9: {  	s0 =	sor.u32 s4, s0;
	s1 =	sshll.u32 s1, $0x11  }
0xca: {  	s0 =	sor.u32 s1, s0  }
0xcb: {  	s0 =	sadd.s32 $0x8F2B, s0  }
0xcc: {  	[sflag:s0] =	ssyncadd.remote.s32 $0x1  }
0xcd: {  	_ =	sfence.sel $0xFFFF  }
0xce: {  	[dreg:$0x0] =	wrdreg $0xFFFFFFFF;
	(pc) =	sbr.abs _section_cstart, $3  }
0xcf: {  	[dreg:$0x1] =	wrdreg $0xFFFFFFFF  }
0xd0: {  	_ =	task.clear_ibuf [dreg:s22], $0x2FFFF;
	_ =	strace $0x9FFFFFFF  }
0xd1: {  	(tm) =	ssettm $0x7FFFFFFF  }
tec
execute0_lowered:
.L_overlay_start_1:
0x0: {  	(tag) =	ssettag $0x1  }
0x1: {  	s4 =	rddreg [dreg:$0x0];
	s1 =	srdreg.scid  }
0x2: {  	s0 =	stileid.u32;
	s2 =	rddreg [dreg:$0x1]  }
0x3: {  	s3 =	simm.s32 $0x0;
	s11 =	simm.s32 $0x7D;
	s12 =	simm.s32 $0x1  }
0x4: {  	s16 =	simm.s32 $0x0;
	s5 =	sand.u32 $0x1, s1;
	s1 =	rddreg [dreg:$0x2]  }
0x5: {  	s6 =	sshll.u32 s0, $0x1;
	[smem:$0x7FF] =	sst s3;
	s10 =	smul.u32 $0x2800, s0  }
0x6: {  	s31 =	sshll.u32 s0, $0x6;
	s6 =	sor.u32 s5, s6;
	s8 =	smul.u32 $0x5000, s5  }
0x7: {  	_ =	strace $0x8000004D;
	s5 =	ssub.s32 $0x2, s5;
	s7 =	smul.u32 $0x280, s6  }
0x8: {  	s6 =	smul.u32 $0x2710, s6;
	s9 =	sshrl.u32 s5, $0x1;
	s14 =	sshrl.u32 s10, $0x3  }
0x9: {  	s8 =	sadd.s32 s8, s4;
	s9 =	ssub.s32 s5, s9;
	s7 =	sadd.s32 s7, s4  }
0xa: {  	s6 =	sadd.s32 s6, s4;
	s13 =	sadd.s32 $0x6A600, s8;
	s8 =	simm.s32 $0x2  }
0xb: {  	s4 =	sadd.s32 $0x5B600, s7;
	s5 =	sadd.s32 $0xD400, s6;
	s6 =	sadd.s32 s10, s2  }
0xc: {  	s7 =	smax.u32 s9, $0x1;
	s9 =	simm.s32 $0x1400;
	s10 =	simm.s32 $0x14C80  }
0xd: {  	v0 =	vimm.f32 $0.0e+00;
	s13 =	sadd.s32 s14, s13;
	s14 =	sor.u32 $0x1C02, s31;
	s15 =	sshrl.u32 s6, $0x3  }
.LBB2_1:
0xe: {  	[tilespmem:s3], [sflag:$0x2] =	stream.linear.gather [hbm4b:s4+s3], $0x1400, $0x38;
	[tilespmem:$0x19C80] =	vst v63  }
0xf: {  	_ =	swait.ge [sflag:s8], $0x1400  }
0x10: {  	[sflag:s8] =	ssyncset.done $0x0  }
0x11: {  	[sflag:s8] =	ssyncadd.s32 $0xFFFFEC00  }
0x12: {  	[tilespmem:s9], [sflag:$0x2] =	stream.linear.gather [hbm4b:s5+s3], $0x13880, $0x38;
	[tilespmem:$0x19C80] =	vst v63  }
0x13: {  	_ =	swait.ge [sflag:s8], $0x13880  }
0x14: {  	[sflag:s8] =	ssyncset.done $0x0  }
0x15: {  	s17 =	simm.s32 $0x40;
	s18 =	simm.s32 $0x0;
	[sflag:s8] =	ssyncadd.s32 $0xFFFEC780  }
.LBB2_2:
0x16: {  	p0 =	sne.s32 s17, $0x9FC0;
	[tilespmem:s18+$0x14C80] =	vst v0;
	s18 =	smov.u32 s17;
	s17 =	sadd.s32 $0x40, s17  }
.Ltmp0:
0x17: {  	(pc) =	sbr.rel @p0 .LBB2_2-.Ltmp0, $2  }
0x18: {  	_ =	sdelay $0x2  }
0x19: {  	s18 =	sshra.s32 s18, $0x2  }
0x1a: {  	[tilespmem:s18+$0x14C80] =	vst v0  }
0x1b: {  	[spmem:s6] =	stream.linear.scatter [tilespmem:s10], [sflag:$0x2], $0x2800, $0x38;
	[tilespmem:$0x19C80] =	vst v63  }
0x1c: {  	_ =	swait.ge [sflag:s8], $0x2800  }
0x1d: {  	[sflag:s8] =	ssyncset.done $0x0  }
0x1e: {  	[sflag:s8] =	ssyncadd.s32 $0xFFFFD800  }
0x1f: {  	s17 =	simm.s32 $0x0;
	s18 =	simm.s32 $0x1400;
	[bflag:$0x0] =	sbarrier.arrive $0xFFFF  }
.LBB2_4:
0x20: {  	p0 =	sne.s32 s17, $0x4E00  }
.Ltmp1:
0x21: {  	_ = 	snop;
	(pc) =	sbr.rel @p0 .LBB2_4-.Ltmp1, $4  }
0x22: {  	_ = 	snop  }
0x23: {  	s19 =	sshra.s32 s17, $0x2  }
0x24: {  	[spmem:s2] =	stream.indirect.scatter.add.f32 [tilespmem:s18], [sflag:$0x1], $0x10, s19, s11, $0xb8;
	[tilespmem:$0x19C80] =	vst v63  }
0x25: {  	s17 =	sadd.s32 $0x200, s17;
	s18 =	sadd.s32 $0x7D0, s18  }
0x26: {  	_ =	swait.ge [sflag:s12], $0x7D0  }
0x27: {  	s17 =	simm.s32 $0x27;
	[sflag:s12] =	ssyncset.done $0x0  }
.LBB2_6:
0x28: {  	p0 =	sne.s32 s17, $0x1;
	s17 =	sadd.s32 $0xFFFFFFFF, s17;
	[sflag:s12] =	ssyncadd.s32 $0xFFFFF830  }
.Ltmp2:
0x29: {  	(pc) =	sbr.rel @p0 .LBB2_6-.Ltmp2, $3  }
0x2a: {  	_ =	sdelay $0x1  }
0x2b: {  	_ =	swait.ge [sflag:s12], $0x7D0  }
0x2c: {  	[sflag:s12] =	ssyncset.done $0x0  }
0x2d: {  	s16 =	sadd.s32 $0x1, s16  }
0x2e: {  	[sflag:s12] =	ssyncadd.s32 $0xFFFFF830;
	p0 =	sne.s32 s16, s7  }
.Ltmp3:
0x2f: {  	[bflag:$0x0] =	sbarrier.arrive $0xFFFF;
	(pc) =	sbr.rel @p0 .LBB2_1-.Ltmp3, $4  }
0x30: {  	[hbm:s13], [sflag:s14] =	dma.local [spmem:s15], $0x500  }
0x31: {  	_ =	swait.ge [sflag:s8], $0x500  }
0x32: {  	[sflag:s8] =	ssyncset.done $0x0  }
0x33: {  	[sflag:s8] =	ssyncadd.s32 $0xFFFFFB00  }
0x34: {  	_ =	sfence.sel $0x180000  }
0x35: {  	[bflag:$0x0] =	sbarrier.arrive $0xFFFF  }
0x36: {  	p0 =	sne.s32 s0, $0x0;
	_ =	strace $0x9000004D  }
0x37: {  	s0 =	sadd.s32 @!p0 $0x100000, s1;
	[bflag:$0x2] =	sbarrier.arrive $0xFFFF  }
0x38: {  	[sflag:s0] =	ssyncadd.tile.s32 @!p0 $0x1;
	_ =	shalt  }
.Lfunc_end2:
_tile_overlayer_lowered:
.L_overlay_start_2:
0x39: {  	(tag) =	ssettag $0x2  }
0x3a: {  	s0 =	rddreg [dreg:$0x0];
	s2 =	stileid.u32  }
0x3b: {  	s1 =	rddreg [dreg:$0x1];
	p0 =	sne.s32 s2, $0x0  }
0x3c: {  	s3 =	rddreg [dreg:$0x2];
	[bflag:$0x3] =	sbarrier.arrive $0xFFFF;
	s2 =	simm.s32 @!p0 $0x1C02  }
0x3d: {  	[timem:s3], [sflag:s2] =	dma.local @!p0 [hbm:s0], s1  }
0x3e: {  	s0 =	simm.s32 @!p0 $0x2  }
0x3f: {  	_ =	swait.ge @!p0 [sflag:s0], s1  }
0x40: {  	s1 =	ssub.s32 @!p0 $0x0, s1;
	[sflag:s0] =	ssyncset.done @!p0 $0x0  }
0x41: {  	[sflag:s0] =	ssyncadd.s32 @!p0 s1  }
0x42: {  	[bflag:$0x3] =	sbarrier.arrive $0xFFFF  }
0x43: {  	_ =	shalt  }

// kernel: kernel.20.cloned.1.call-start
scs
__scs_entry_jumppad:
0x0: {  	(pc) =	sbr.rel $0x88, $3  }
0x1: {  	(tag) =	ssettag $0x0;
	lr =	simm.s32 $0x1  }
0x2: {  	[smem:$0x3F95] =	sst lr;
	_ =	strace $0xD0000000  }
0x3: {  	_ = 	snop  }
0x4: {  	_ = 	snop  }
0x5: {  	_ = 	snop  }
0x6: {  	_ = 	snop  }
0x7: {  	_ = 	snop  }
__scs_overlays_trampoline_lowered:
0x8: {  	[smem:$0x3FA4] =	sst s0  }
0x9: {  	[smem:$0x3FA5] =	sst s1  }
0xa: {  	[smem:$0x3FA6] =	sst s2  }
0xb: {  	[smem:$0x3FA7] =	sst s3  }
0xc: {  	[smem:$0x3FA8] =	sst s4  }
0xd: {  	[smem:$0x3FA9] =	sst s5  }
0xe: {  	[smem:$0x3FAA] =	sst s6  }
0xf: {  	[smem:$0x3FAB] =	sst s7  }
0x10: {  	[smem:$0x3FAC] =	sst s8  }
0x11: {  	[smem:$0x3FAD] =	sst s9;
	s0 =	simm.s32 @!p0 $0x0  }
0x12: {  	s1 =	sld [smem:$0x3F93];
	s0 =	simm.s32 @p0 $0x1  }
0x13: {  	[smem:$0x3FAE] =	sst s0;
	s0 =	simm.s32 @!p1 $0x0  }
0x14: {  	s2 =	sld [smem:$0x3F92];
	s0 =	simm.s32 @p1 $0x1  }
0x15: {  	[smem:$0x3FAF] =	sst s0;
	s0 =	simm.s32 @!p2 $0x0  }
0x16: {  	s3 =	sld [smem:$0x3FDB];
	s0 =	simm.s32 @p2 $0x1  }
0x17: {  	s4 =	simm.s32 $0x1BF5;
	[smem:$0x3FB1] =	sst s0  }
0x18: {  	s0 =	sld [smem:$0x3F94];
	_ =	swait.ge [sflag:s4], $0x0  }
0x19: {  	s7 =	sld [smem:$0x3F95]  }
0x1a: {  	s8 =	sadd.s32 $0xFFFFE003, lr  }
0x1b: {  	s9 =	sadd.s32 $0xFFFFFEF7, lr;
	s5 =	simm.s32 $0xFFFFFFFF;
	p2 =	slt.u32 s8, $0xFFFFF086  }
0x1c: {  	p1 =	slt.u32 s9, $0xF7A;
	s5 =	simm.s32 @!p2 $0x0  }
0x1d: {  	s5 =	simm.s32 @p1 $0x1;
	p0 =	seq.s32 s7, s2  }
0x1e: {  	s7 =	smul.u32 @!p0 $0xF7A, s2;
	p2 =	seq.s32 @!p0 s5, $0x0  }
0x1f: {  	s9 =	smul.u32 $0xF7A, s1;
	s8 =	simm.s32 @!p0 $0x1BF5;
	p2 =	por !p2, p0  }
0x20: {  	[sflag:s8] =	ssyncset.s32 @!p0 $0xFFFFF086;
	s6 =	sadd.s32 @!p0 s3, s7;
	s7 =	simm.s32 @!p0 $0x108  }
0x21: {  	s3 =	sadd.s32 s3, s9;
	s6 =	sadd.s32 @!p0 $0x88, s6;
	s7 =	simm.s32 @p2 $0x1082  }
0x22: {  	[simem:s7], [sflag:s8] =	dma.local @!p0 [hbm:s6], $0xF7A  }
0x23: {  	s9 =	sor.u32 $0xD0000000, s2;
	s6 =	simm.s32 $0x108;
	_ =	swait.ge @!p0 [sflag:s8], $0x0  }
0x24: {  	s3 =	sadd.s32 $0x88, s3;
	s6 =	simm.s32 @!p1 $0x1082;
	[sflag:s4] =	ssyncset.s32 $0xFFFFF086  }
0x25: {  	[simem:s6], [sflag:s4] =	dma.local [hbm:s3], $0xF7A  }
0x26: {  	[smem:$0x3F95] =	sst s1;
	(tag) =	ssettag s2;
	_ =	strace s9  }
0x27: {  	s1 =	sld [smem:$0x3FA5]  }
0x28: {  	s2 =	sld [smem:$0x3FA6]  }
0x29: {  	s4 =	sld [smem:$0x3FA8]  }
0x2a: {  	p0 =	seq.s32 s5, $0x0;
	s5 =	sld [smem:$0x3FA9]  }
0x2b: {  	s6 =	sld [smem:$0x3FAA]  }
0x2c: {  	s7 =	sld [smem:$0x3FAB]  }
0x2d: {  	s3 =	simm.s32 $0x108;
	s8 =	sld [smem:$0x3FAC]  }
0x2e: {  	s3 =	simm.s32 @!p0 $0x1082;
	s9 =	sld [smem:$0x3FAD]  }
0x2f: {  	lr =	sadd.s32 s0, s3;
	s0 =	sld [smem:$0x3FA4]  }
0x30: {  	s3 =	sld [smem:$0x3FA7]  }
0x31: {  	[smem:$0x3FB0] =	sst s10  }
0x32: {  	s10 =	sld [smem:$0x3FAE];
	_ =	sdelay $0x3  }
0x33: {  	p0 =	seq.s32 s10, $0x1;
	s10 =	sld [smem:$0x3FB0];
	_ =	sdelay $0x3  }
0x34: {  	[smem:$0x3FB0] =	sst s10  }
0x35: {  	s10 =	sld [smem:$0x3FAF];
	_ =	sdelay $0x3  }
0x36: {  	p1 =	seq.s32 s10, $0x1;
	s10 =	sld [smem:$0x3FB0];
	_ =	sdelay $0x3  }
0x37: {  	[smem:$0x3FB0] =	sst s10  }
0x38: {  	s10 =	sld [smem:$0x3FB1]  }
0x39: {  	_ = 	snop;
	(pc) =	sbr.ind lr, $3  }
0x3a: {  	_ = 	snop  }
0x3b: {  	_ = 	snop  }
0x3c: {  	p2 =	seq.s32 s10, $0x1;
	s10 =	sld [smem:$0x3FB0]  }
0x3d: {  	_ =	shalt  }
0x3e: {  	_ =	shalt  }
0x3f: {  	_ =	shalt  }
0x40: {  	_ =	shalt  }
0x41: {  	_ =	shalt  }
0x42: {  	_ =	shalt  }
0x43: {  	_ =	shalt  }
0x44: {  	_ =	shalt  }
0x45: {  	_ =	shalt  }
0x46: {  	_ =	shalt  }
0x47: {  	_ =	shalt  }
0x48: {  	_ =	shalt  }
0x49: {  	_ =	shalt  }
0x4a: {  	_ =	shalt  }
0x4b: {  	_ =	shalt  }
0x4c: {  	_ =	shalt  }
0x4d: {  	_ =	shalt  }
0x4e: {  	_ =	shalt  }
0x4f: {  	_ =	shalt  }
0x50: {  	_ =	shalt  }
0x51: {  	_ =	shalt  }
0x52: {  	_ =	shalt  }
0x53: {  	_ =	shalt  }
0x54: {  	_ =	shalt  }
0x55: {  	_ =	shalt  }
0x56: {  	_ =	shalt  }
0x57: {  	_ =	shalt  }
0x58: {  	_ =	shalt  }
0x59: {  	_ =	shalt  }
0x5a: {  	_ =	shalt  }
0x5b: {  	_ =	shalt  }
0x5c: {  	_ =	shalt  }
0x5d: {  	_ =	shalt  }
0x5e: {  	_ =	shalt  }
0x5f: {  	_ =	shalt  }
0x60: {  	_ =	shalt  }
0x61: {  	_ =	shalt  }
0x62: {  	_ =	shalt  }
0x63: {  	_ =	shalt  }
0x64: {  	_ =	shalt  }
0x65: {  	_ =	shalt  }
0x66: {  	_ =	shalt  }
0x67: {  	_ =	shalt  }
0x68: {  	_ =	shalt  }
0x69: {  	_ =	shalt  }
0x6a: {  	_ =	shalt  }
0x6b: {  	_ =	shalt  }
0x6c: {  	_ =	shalt  }
0x6d: {  	_ =	shalt  }
0x6e: {  	_ =	shalt  }
0x6f: {  	_ =	shalt  }
0x70: {  	_ =	shalt  }
0x71: {  	_ =	shalt  }
0x72: {  	_ =	shalt  }
0x73: {  	_ =	shalt  }
0x74: {  	_ =	shalt  }
0x75: {  	_ =	shalt  }
0x76: {  	_ =	shalt  }
0x77: {  	_ =	shalt  }
0x78: {  	_ =	shalt  }
0x79: {  	_ =	shalt  }
0x7a: {  	_ =	shalt  }
0x7b: {  	_ =	shalt  }
0x7c: {  	_ =	shalt  }
0x7d: {  	_ =	shalt  }
0x7e: {  	_ =	shalt  }
0x7f: {  	_ =	shalt  }
0x80: {  	_ =	shalt  }
0x81: {  	_ =	shalt  }
0x82: {  	_ =	shalt  }
0x83: {  	_ =	shalt  }
0x84: {  	_ =	shalt  }
0x85: {  	_ =	shalt  }
0x86: {  	_ =	shalt  }
0x87: {  	_ =	shalt  }
.Lfunc_end0:
.L_simem_size_0:
called_computation.3_lowered:
.L_overlay_start_0:
0x88: {  	s2 =	sld [smem:$0x3FD9]  }
0x89: {  	s3 =	sld [smem:$0x3FFE];
	_ =	sdelay $0x1  }
0x8a: {  	s1 =	srdreg.scid  }
0x8b: {  	s0 =	sand.u32 $0x1, s1  }
0x8c: {  	s16 =	sshll.u32 s0, $0xA;
	s2 =	sadd.s32 s3, s2  }
0x8d: {  	s2 =	sadd.s32 s2, s16  }
0x8e: {  	[smem:$0x3FBC] =	sst s2  }
0x8f: {  	_ = 	snop  }
0x90: {  	(tm) =	ssettm $0x1  }
0x91: {  	s17 =	sld [smem:$0x3FFB];
	_ =	sdelay $0x3  }
0x92: {  	_ =	strace s17  }
0x93: {  	s2 =	sld [smem:$0x3FFC];
	_ =	sdelay $0x3  }
0x94: {  	_ =	strace s2  }
0x95: {  	s2 =	sld [smem:$0x3FFD];
	_ =	sdelay $0x3  }
0x96: {  	_ =	strace s2  }
0x97: {  	_ =	strace $0x8FFFFFFF  }
0x98: {  	s18 =	sld [smem:$0x3FDB];
	_ =	sdelay $0x1  }
0x99: {  	s19 =	simm.s32 $_scs_section_size  }
0x9a: {  	s4 =	simm.s32 $_size__tile_overlayer_lowered;
	s5 =	simm.s32 $_tile_overlayer_lowered  }
0x9b: {  	s22 =	simm.s32 $0x1BFF;
	s21 =	sshll.u32 s5, $0x1;
	s2 =	sadd.s32 s19, s18  }
0x9c: {  	s6 =	simm.s32 $0x0;
	s20 =	sshll.u32 s4, $0x1;
	s4 =	sadd.s32 s21, s2  }
0x9d: {  	[timem:s6], [sflag:s22] =	dma.local [hbm:s4], s20  }
0x9e: {  	_ =	swait.ge [sflag:s22], s20  }
0x9f: {  	s3 =	ssub.s32 $0x0, s20;
	[sflag:s22] =	ssyncset.done $0x0  }
0xa0: {  	[sflag:s22] =	ssyncadd.s32 s3;
	_ =	sdelay $0x1  }
0xa1: {  	s23 =	simm.s32 $0x1B8B  }
0xa2: {  	_ =	swait.ge [sflag:s23], $0x1  }
0xa3: {  	[sflag:s23] =	ssyncset.done $0x0  }
0xa4: {  	s25 =	simm.s32 $0x1B8E;
	s24 =	sld [smem:$0x3FFE];
	[sflag:s23] =	ssyncadd.s32 $0xFFFFFFFF  }
0xa5: {  	s26 =	simm.s32 $execute0_lowered;
	[smem:$0x3FD2] =	sst s25  }
0xa6: {  	s4 =	sshll.u32 s26, $0x1;
	_ =	strace $0x8000004F;
	[dreg:$0x1] =	wrdreg $0xFFFFFFFF  }
0xa7: {  	s28 =	simm.s32 $_size_execute0_lowered;
	s2 =	sadd.s32 s2, s4;
	[dreg:$0x0] =	wrdreg $0x0  }
0xa8: {  	s4 =	sshll.u32 s28, $0x1;
	[dreg:$0x2] =	wrdreg s2  }
0xa9: {  	[dreg:$0x3] =	wrdreg s4  }
0xaa: {  	[dreg:$0x4] =	wrdreg $0xC0  }
0xab: {  	_ =	task [dreg:s6], $0x5FFFF  }
0xac: {  	[dreg:$0x1] =	wrdreg $0xFFFFFFFF  }
0xad: {  	[dreg:$0x0] =	wrdreg $0x60  }
0xae: {  	[dreg:$0x2] =	wrdreg s24  }
0xaf: {  	[dreg:$0x3] =	wrdreg $0x9  }
0xb0: {  	_ =	task.clear_ibuf [dreg:s6], $0x4FFFF;
	_ =	strace $0x9000004F  }
0xb1: {  	s29 =	simm.s32 $0x9;
	_ =	strace $0x80000051  }
0xb2: {  	_ =	swait.ge [sflag:s29], $0x1  }
0xb3: {  	[sflag:s29] =	ssyncadd.s32 $0xFFFFFFFF  }
0xb4: {  	_ =	strace $0x90000051  }
0xb5: {  	_ =	sfence  }
0xb6: {  	s30 =	sld [smem:$0x0];
	_ =	sdelay $0x2  }
0xb7: {  	s31 =	sshll.u32 s1, $0xD;
	s1 =	sshrl.u32 s1, $0x2  }
0xb8: {  	s3 =	sand.u32 $0x4000, s31;
	s1 =	sadd.s32 s1, s30  }
0xb9: {  	s0 =	sor.u32 s3, s0;
	s1 =	sshll.u32 s1, $0x11  }
0xba: {  	s0 =	sor.u32 s1, s0  }
0xbb: {  	s0 =	sadd.s32 $0x8F2B, s0  }
0xbc: {  	[sflag:s0] =	ssyncadd.remote.s32 $0x1  }
0xbd: {  	_ =	sfence.sel $0xFFFF  }
0xbe: {  	[dreg:$0x0] =	wrdreg $0xFFFFFFFF;
	(pc) =	sbr.abs _section_cstart, $3  }
0xbf: {  	[dreg:$0x1] =	wrdreg $0xFFFFFFFF  }
0xc0: {  	_ =	task.clear_ibuf [dreg:s6], $0x2FFFF;
	_ =	strace $0x9FFFFFFF  }
0xc1: {  	(tm) =	ssettm $0x7FFFFFFF  }
tec
execute0_lowered:
.L_overlay_start_1:
0x0: {  	(tag) =	ssettag $0x1  }
0x1: {  	s1 =	srdreg.scid;
	s0 =	stileid.u32  }
0x2: {  	s5 =	rddreg [dreg:$0x0];
	s2 =	simm.s32 $0x0;
	s8 =	simm.s32 $0x7D  }
0x3: {  	s9 =	simm.s32 $0x1;
	s4 =	sand.u32 $0x1, s1;
	s30 =	sshll.u32 s0, $0x1  }
0x4: {  	s10 =	simm.s32 $0x1400;
	s1 =	rddreg [dreg:$0x1];
	s3 =	sor.u32 s4, s30  }
0x5: {  	s11 =	simm.s32 $0x0;
	[smem:$0x7FF] =	sst s2;
	s6 =	smul.u32 $0x280, s3  }
0x6: {  	_ =	strace $0x80000050;
	s4 =	ssub.s32 $0x2, s4;
	s7 =	smul.u32 $0x2710, s3  }
0x7: {  	s3 =	sadd.s32 $0x3400, s5;
	s31 =	sshrl.u32 s4, $0x1;
	s6 =	sadd.s32 s6, s5  }
0x8: {  	s5 =	sadd.s32 s7, s5;
	s7 =	ssub.s32 s4, s31;
	s4 =	sadd.s32 $0x8400, s6  }
0x9: {  	s5 =	sadd.s32 $0xD400, s5;
	s6 =	smax.u32 s7, $0x1;
	s7 =	simm.s32 $0x2  }
.LBB2_1:
0xa: {  	[tilespmem:s2], [sflag:$0x2] =	stream.linear.gather [hbm4b:s4+s2], $0x1400, $0x38;
	[tilespmem:$0x14C80] =	vst v63  }
0xb: {  	_ =	swait.ge [sflag:s7], $0x1400  }
0xc: {  	[sflag:s7] =	ssyncset.done $0x0  }
0xd: {  	s12 =	simm.s32 $0x1400;
	s13 =	simm.s32 $0x0;
	[sflag:s7] =	ssyncadd.s32 $0xFFFFEC00  }
.LBB2_2:
0xe: {  	p0 =	sne.s32 s13, $0x4E00  }
.Ltmp0:
0xf: {  	_ = 	snop;
	(pc) =	sbr.rel @p0 .LBB2_2-.Ltmp0, $4  }
0x10: {  	_ = 	snop  }
0x11: {  	s14 =	sshra.s32 s13, $0x2  }
0x12: {  	[tilespmem:s12], [sflag:$0x1] =	stream.indirect.gather [hbm4b:s3+s8], $0x10, s14, s8, $0xb8;
	[tilespmem:$0x14C80] =	vst v63  }
0x13: {  	s13 =	sadd.s32 $0x200, s13;
	s12 =	sadd.s32 $0x7D0, s12  }
0x14: {  	_ =	swait.ge [sflag:s9], $0x7D0  }
0x15: {  	s12 =	simm.s32 $0x27;
	[sflag:s9] =	ssyncset.done $0x0  }
.LBB2_4:
0x16: {  	p0 =	sne.s32 s12, $0x1;
	s12 =	sadd.s32 $0xFFFFFFFF, s12;
	[sflag:s9] =	ssyncadd.s32 $0xFFFFF830  }
.Ltmp1:
0x17: {  	(pc) =	sbr.rel @p0 .LBB2_4-.Ltmp1, $3  }
0x18: {  	_ =	sdelay $0x1  }
0x19: {  	_ =	swait.ge [sflag:s9], $0x7D0  }
0x1a: {  	[sflag:s9] =	ssyncset.done $0x0  }
0x1b: {  	s11 =	sadd.s32 $0x1, s11  }
0x1c: {  	p0 =	sne.s32 s11, s6  }
.Ltmp2:
0x1d: {  	[sflag:s9] =	ssyncadd.s32 $0xFFFFF830;
	(pc) =	sbr.rel @p0 .LBB2_1-.Ltmp2, $4  }
0x1e: {  	[hbm4b:s5+s2] =	stream.linear.scatter [tilespmem:s10], [sflag:$0x2], $0x13880, $0x38;
	[tilespmem:$0x14C80] =	vst v63  }
0x1f: {  	_ =	swait.ge [sflag:s7], $0x13880  }
0x20: {  	[sflag:s7] =	ssyncset.done $0x0  }
0x21: {  	[sflag:s7] =	ssyncadd.s32 $0xFFFEC780  }
0x22: {  	_ =	sfence.sel $0x180000  }
0x23: {  	[bflag:$0x0] =	sbarrier.arrive $0xFFFF  }
0x24: {  	p0 =	sne.s32 s0, $0x0;
	_ =	strace $0x90000050  }
0x25: {  	s0 =	sadd.s32 @!p0 $0x100000, s1;
	[bflag:$0x2] =	sbarrier.arrive $0xFFFF  }
0x26: {  	[sflag:s0] =	ssyncadd.tile.s32 @!p0 $0x1;
	_ =	shalt  }
.Lfunc_end2:
_tile_overlayer_lowered:
.L_overlay_start_2:
0x27: {  	(tag) =	ssettag $0x2  }
0x28: {  	s0 =	rddreg [dreg:$0x0];
	s2 =	stileid.u32  }
0x29: {  	s1 =	rddreg [dreg:$0x1];
	p0 =	sne.s32 s2, $0x0  }
0x2a: {  	s3 =	rddreg [dreg:$0x2];
	[bflag:$0x3] =	sbarrier.arrive $0xFFFF;
	s2 =	simm.s32 @!p0 $0x1C02  }
0x2b: {  	[timem:s3], [sflag:s2] =	dma.local @!p0 [hbm:s0], s1  }
0x2c: {  	s0 =	simm.s32 @!p0 $0x2  }
0x2d: {  	_ =	swait.ge @!p0 [sflag:s0], s1  }
0x2e: {  	s1 =	ssub.s32 @!p0 $0x0, s1;
	[sflag:s0] =	ssyncset.done @!p0 $0x0  }
0x2f: {  	[sflag:s0] =	ssyncadd.s32 @!p0 s1  }
0x30: {  	[bflag:$0x3] =	sbarrier.arrive $0xFFFF  }
0x31: {  	_ =	shalt  }

// kernel: kernel.23.cloned.1.call-start
scs
__scs_entry_jumppad:
0x0: {  	(pc) =	sbr.rel $0x88, $3  }
0x1: {  	(tag) =	ssettag $0x0;
	lr =	simm.s32 $0x1  }
0x2: {  	[smem:$0x3F95] =	sst lr;
	_ =	strace $0xD0000000  }
0x3: {  	_ = 	snop  }
0x4: {  	_ = 	snop  }
0x5: {  	_ = 	snop  }
0x6: {  	_ = 	snop  }
0x7: {  	_ = 	snop  }
__scs_overlays_trampoline_lowered:
0x8: {  	[smem:$0x3FA4] =	sst s0  }
0x9: {  	[smem:$0x3FA5] =	sst s1  }
0xa: {  	[smem:$0x3FA6] =	sst s2  }
0xb: {  	[smem:$0x3FA7] =	sst s3  }
0xc: {  	[smem:$0x3FA8] =	sst s4  }
0xd: {  	[smem:$0x3FA9] =	sst s5  }
0xe: {  	[smem:$0x3FAA] =	sst s6  }
0xf: {  	[smem:$0x3FAB] =	sst s7  }
0x10: {  	[smem:$0x3FAC] =	sst s8  }
0x11: {  	[smem:$0x3FAD] =	sst s9;
	s0 =	simm.s32 @!p0 $0x0  }
0x12: {  	s1 =	sld [smem:$0x3F93];
	s0 =	simm.s32 @p0 $0x1  }
0x13: {  	[smem:$0x3FAE] =	sst s0;
	s0 =	simm.s32 @!p1 $0x0  }
0x14: {  	s2 =	sld [smem:$0x3F92];
	s0 =	simm.s32 @p1 $0x1  }
0x15: {  	[smem:$0x3FAF] =	sst s0;
	s0 =	simm.s32 @!p2 $0x0  }
0x16: {  	s3 =	sld [smem:$0x3FDB];
	s0 =	simm.s32 @p2 $0x1  }
0x17: {  	s4 =	simm.s32 $0x1BF5;
	[smem:$0x3FB1] =	sst s0  }
0x18: {  	s0 =	sld [smem:$0x3F94];
	_ =	swait.ge [sflag:s4], $0x0  }
0x19: {  	s7 =	sld [smem:$0x3F95]  }
0x1a: {  	s8 =	sadd.s32 $0xFFFFE003, lr  }
0x1b: {  	s9 =	sadd.s32 $0xFFFFFEF7, lr;
	s5 =	simm.s32 $0xFFFFFFFF;
	p2 =	slt.u32 s8, $0xFFFFF086  }
0x1c: {  	p1 =	slt.u32 s9, $0xF7A;
	s5 =	simm.s32 @!p2 $0x0  }
0x1d: {  	s5 =	simm.s32 @p1 $0x1;
	p0 =	seq.s32 s7, s2  }
0x1e: {  	s7 =	smul.u32 @!p0 $0xF7A, s2;
	p2 =	seq.s32 @!p0 s5, $0x0  }
0x1f: {  	s9 =	smul.u32 $0xF7A, s1;
	s8 =	simm.s32 @!p0 $0x1BF5;
	p2 =	por !p2, p0  }
0x20: {  	[sflag:s8] =	ssyncset.s32 @!p0 $0xFFFFF086;
	s6 =	sadd.s32 @!p0 s3, s7;
	s7 =	simm.s32 @!p0 $0x108  }
0x21: {  	s3 =	sadd.s32 s3, s9;
	s6 =	sadd.s32 @!p0 $0x88, s6;
	s7 =	simm.s32 @p2 $0x1082  }
0x22: {  	[simem:s7], [sflag:s8] =	dma.local @!p0 [hbm:s6], $0xF7A  }
0x23: {  	s9 =	sor.u32 $0xD0000000, s2;
	s6 =	simm.s32 $0x108;
	_ =	swait.ge @!p0 [sflag:s8], $0x0  }
0x24: {  	s3 =	sadd.s32 $0x88, s3;
	s6 =	simm.s32 @!p1 $0x1082;
	[sflag:s4] =	ssyncset.s32 $0xFFFFF086  }
0x25: {  	[simem:s6], [sflag:s4] =	dma.local [hbm:s3], $0xF7A  }
0x26: {  	[smem:$0x3F95] =	sst s1;
	(tag) =	ssettag s2;
	_ =	strace s9  }
0x27: {  	s1 =	sld [smem:$0x3FA5]  }
0x28: {  	s2 =	sld [smem:$0x3FA6]  }
0x29: {  	s4 =	sld [smem:$0x3FA8]  }
0x2a: {  	p0 =	seq.s32 s5, $0x0;
	s5 =	sld [smem:$0x3FA9]  }
0x2b: {  	s6 =	sld [smem:$0x3FAA]  }
0x2c: {  	s7 =	sld [smem:$0x3FAB]  }
0x2d: {  	s3 =	simm.s32 $0x108;
	s8 =	sld [smem:$0x3FAC]  }
0x2e: {  	s3 =	simm.s32 @!p0 $0x1082;
	s9 =	sld [smem:$0x3FAD]  }
0x2f: {  	lr =	sadd.s32 s0, s3;
	s0 =	sld [smem:$0x3FA4]  }
0x30: {  	s3 =	sld [smem:$0x3FA7]  }
0x31: {  	[smem:$0x3FB0] =	sst s10  }
0x32: {  	s10 =	sld [smem:$0x3FAE];
	_ =	sdelay $0x3  }
0x33: {  	p0 =	seq.s32 s10, $0x1;
	s10 =	sld [smem:$0x3FB0];
	_ =	sdelay $0x3  }
0x34: {  	[smem:$0x3FB0] =	sst s10  }
0x35: {  	s10 =	sld [smem:$0x3FAF];
	_ =	sdelay $0x3  }
0x36: {  	p1 =	seq.s32 s10, $0x1;
	s10 =	sld [smem:$0x3FB0];
	_ =	sdelay $0x3  }
0x37: {  	[smem:$0x3FB0] =	sst s10  }
0x38: {  	s10 =	sld [smem:$0x3FB1]  }
0x39: {  	_ = 	snop;
	(pc) =	sbr.ind lr, $3  }
0x3a: {  	_ = 	snop  }
0x3b: {  	_ = 	snop  }
0x3c: {  	p2 =	seq.s32 s10, $0x1;
	s10 =	sld [smem:$0x3FB0]  }
0x3d: {  	_ =	shalt  }
0x3e: {  	_ =	shalt  }
0x3f: {  	_ =	shalt  }
0x40: {  	_ =	shalt  }
0x41: {  	_ =	shalt  }
0x42: {  	_ =	shalt  }
0x43: {  	_ =	shalt  }
0x44: {  	_ =	shalt  }
0x45: {  	_ =	shalt  }
0x46: {  	_ =	shalt  }
0x47: {  	_ =	shalt  }
0x48: {  	_ =	shalt  }
0x49: {  	_ =	shalt  }
0x4a: {  	_ =	shalt  }
0x4b: {  	_ =	shalt  }
0x4c: {  	_ =	shalt  }
0x4d: {  	_ =	shalt  }
0x4e: {  	_ =	shalt  }
0x4f: {  	_ =	shalt  }
0x50: {  	_ =	shalt  }
0x51: {  	_ =	shalt  }
0x52: {  	_ =	shalt  }
0x53: {  	_ =	shalt  }
0x54: {  	_ =	shalt  }
0x55: {  	_ =	shalt  }
0x56: {  	_ =	shalt  }
0x57: {  	_ =	shalt  }
0x58: {  	_ =	shalt  }
0x59: {  	_ =	shalt  }
0x5a: {  	_ =	shalt  }
0x5b: {  	_ =	shalt  }
0x5c: {  	_ =	shalt  }
0x5d: {  	_ =	shalt  }
0x5e: {  	_ =	shalt  }
0x5f: {  	_ =	shalt  }
0x60: {  	_ =	shalt  }
0x61: {  	_ =	shalt  }
0x62: {  	_ =	shalt  }
0x63: {  	_ =	shalt  }
0x64: {  	_ =	shalt  }
0x65: {  	_ =	shalt  }
0x66: {  	_ =	shalt  }
0x67: {  	_ =	shalt  }
0x68: {  	_ =	shalt  }
0x69: {  	_ =	shalt  }
0x6a: {  	_ =	shalt  }
0x6b: {  	_ =	shalt  }
0x6c: {  	_ =	shalt  }
0x6d: {  	_ =	shalt  }
0x6e: {  	_ =	shalt  }
0x6f: {  	_ =	shalt  }
0x70: {  	_ =	shalt  }
0x71: {  	_ =	shalt  }
0x72: {  	_ =	shalt  }
0x73: {  	_ =	shalt  }
0x74: {  	_ =	shalt  }
0x75: {  	_ =	shalt  }
0x76: {  	_ =	shalt  }
0x77: {  	_ =	shalt  }
0x78: {  	_ =	shalt  }
0x79: {  	_ =	shalt  }
0x7a: {  	_ =	shalt  }
0x7b: {  	_ =	shalt  }
0x7c: {  	_ =	shalt  }
0x7d: {  	_ =	shalt  }
0x7e: {  	_ =	shalt  }
0x7f: {  	_ =	shalt  }
0x80: {  	_ =	shalt  }
0x81: {  	_ =	shalt  }
0x82: {  	_ =	shalt  }
0x83: {  	_ =	shalt  }
0x84: {  	_ =	shalt  }
0x85: {  	_ =	shalt  }
0x86: {  	_ =	shalt  }
0x87: {  	_ =	shalt  }
.Lfunc_end0:
.L_simem_size_0:
called_computation.4_lowered:
.L_overlay_start_0:
0x88: {  	s2 =	sld [smem:$0x3FD9]  }
0x89: {  	s3 =	sld [smem:$0x3FFE];
	_ =	sdelay $0x1  }
0x8a: {  	s1 =	srdreg.scid  }
0x8b: {  	s0 =	sand.u32 $0x1, s1  }
0x8c: {  	s16 =	sshll.u32 s0, $0xA;
	s2 =	sadd.s32 s3, s2  }
0x8d: {  	s2 =	sadd.s32 s2, s16  }
0x8e: {  	[smem:$0x3FBC] =	sst s2  }
0x8f: {  	_ = 	snop  }
0x90: {  	(tm) =	ssettm $0x1  }
0x91: {  	s17 =	sld [smem:$0x3FFB];
	_ =	sdelay $0x3  }
0x92: {  	_ =	strace s17  }
0x93: {  	s2 =	sld [smem:$0x3FFC];
	_ =	sdelay $0x3  }
0x94: {  	_ =	strace s2  }
0x95: {  	s2 =	sld [smem:$0x3FFD];
	_ =	sdelay $0x3  }
0x96: {  	_ =	strace s2  }
0x97: {  	_ =	strace $0x8FFFFFFF  }
0x98: {  	s18 =	sld [smem:$0x3FDB];
	_ =	sdelay $0x1  }
0x99: {  	s19 =	simm.s32 $_scs_section_size  }
0x9a: {  	s4 =	simm.s32 $_size__tile_overlayer_lowered;
	s5 =	simm.s32 $_tile_overlayer_lowered  }
0x9b: {  	s22 =	simm.s32 $0x1BFF;
	s21 =	sshll.u32 s5, $0x1;
	s2 =	sadd.s32 s19, s18  }
0x9c: {  	s6 =	simm.s32 $0x0;
	s20 =	sshll.u32 s4, $0x1;
	s4 =	sadd.s32 s21, s2  }
0x9d: {  	[timem:s6], [sflag:s22] =	dma.local [hbm:s4], s20  }
0x9e: {  	_ =	swait.ge [sflag:s22], s20  }
0x9f: {  	s3 =	ssub.s32 $0x0, s20;
	[sflag:s22] =	ssyncset.done $0x0  }
0xa0: {  	[sflag:s22] =	ssyncadd.s32 s3;
	_ =	sdelay $0x1  }
0xa1: {  	s23 =	simm.s32 $0x1B8B  }
0xa2: {  	_ =	swait.ge [sflag:s23], $0x1  }
0xa3: {  	[sflag:s23] =	ssyncset.done $0x0  }
0xa4: {  	s25 =	simm.s32 $0x1B8E;
	s24 =	sld [smem:$0x3FFE];
	[sflag:s23] =	ssyncadd.s32 $0xFFFFFFFF  }
0xa5: {  	s26 =	simm.s32 $execute0_lowered;
	[smem:$0x3FD2] =	sst s25  }
0xa6: {  	s4 =	sshll.u32 s26, $0x1;
	_ =	strace $0x80000052;
	[dreg:$0x1] =	wrdreg $0xFFFFFFFF  }
0xa7: {  	s28 =	simm.s32 $_size_execute0_lowered;
	s2 =	sadd.s32 s2, s4;
	[dreg:$0x0] =	wrdreg $0x0  }
0xa8: {  	s4 =	sshll.u32 s28, $0x1;
	[dreg:$0x2] =	wrdreg s2  }
0xa9: {  	[dreg:$0x3] =	wrdreg s4  }
0xaa: {  	[dreg:$0x4] =	wrdreg $0xC0  }
0xab: {  	_ =	task [dreg:s6], $0x5FFFF  }
0xac: {  	[dreg:$0x1] =	wrdreg $0xFFFFFFFF  }
0xad: {  	[dreg:$0x0] =	wrdreg $0x60  }
0xae: {  	[dreg:$0x2] =	wrdreg s24  }
0xaf: {  	[dreg:$0x3] =	wrdreg $0x174800  }
0xb0: {  	[dreg:$0x4] =	wrdreg $0x9  }
0xb1: {  	_ =	task.clear_ibuf [dreg:s6], $0x5FFFF;
	_ =	strace $0x90000052  }
0xb2: {  	s29 =	simm.s32 $0x9;
	_ =	strace $0x80000054  }
0xb3: {  	_ =	swait.ge [sflag:s29], $0x1  }
0xb4: {  	[sflag:s29] =	ssyncadd.s32 $0xFFFFFFFF  }
0xb5: {  	_ =	strace $0x90000054  }
0xb6: {  	_ =	sfence  }
0xb7: {  	s30 =	sld [smem:$0x0];
	_ =	sdelay $0x2  }
0xb8: {  	s31 =	sshll.u32 s1, $0xD;
	s1 =	sshrl.u32 s1, $0x2  }
0xb9: {  	s3 =	sand.u32 $0x4000, s31;
	s1 =	sadd.s32 s1, s30  }
0xba: {  	s0 =	sor.u32 s3, s0;
	s1 =	sshll.u32 s1, $0x11  }
0xbb: {  	s0 =	sor.u32 s1, s0  }
0xbc: {  	s0 =	sadd.s32 $0x8F2B, s0  }
0xbd: {  	[sflag:s0] =	ssyncadd.remote.s32 $0x1  }
0xbe: {  	_ =	sfence.sel $0xFFFF  }
0xbf: {  	[dreg:$0x0] =	wrdreg $0xFFFFFFFF;
	(pc) =	sbr.abs _section_cstart, $3  }
0xc0: {  	[dreg:$0x1] =	wrdreg $0xFFFFFFFF  }
0xc1: {  	_ =	task.clear_ibuf [dreg:s6], $0x2FFFF;
	_ =	strace $0x9FFFFFFF  }
0xc2: {  	(tm) =	ssettm $0x7FFFFFFF  }
0xc3: {  	_ =	shalt  }
tec
execute0_lowered:
.L_overlay_start_1:
0x0: {  	(tag) =	ssettag $0x1  }
0x1: {  	s4 =	rddreg [dreg:$0x0];
	s1 =	srdreg.scid  }
0x2: {  	s0 =	stileid.u32;
	s2 =	rddreg [dreg:$0x1]  }
0x3: {  	s3 =	simm.s32 $0x0;
	s11 =	simm.s32 $0x7D;
	s12 =	simm.s32 $0x1  }
0x4: {  	s16 =	simm.s32 $0x0;
	s5 =	sand.u32 $0x1, s1;
	s1 =	rddreg [dreg:$0x2]  }
0x5: {  	s6 =	sshll.u32 s0, $0x1;
	[smem:$0x7FF] =	sst s3;
	s10 =	smul.u32 $0x2800, s0  }
0x6: {  	s31 =	sshll.u32 s0, $0x6;
	s6 =	sor.u32 s5, s6;
	s8 =	smul.u32 $0x5000, s5  }
0x7: {  	_ =	strace $0x80000053;
	s5 =	ssub.s32 $0x2, s5;
	s7 =	smul.u32 $0x280, s6  }
0x8: {  	s6 =	smul.u32 $0x2710, s6;
	s9 =	sshrl.u32 s5, $0x1;
	s14 =	sshrl.u32 s10, $0x3  }
0x9: {  	s8 =	sadd.s32 s8, s4;
	s9 =	ssub.s32 s5, s9;
	s7 =	sadd.s32 s7, s4  }
0xa: {  	s6 =	sadd.s32 s6, s4;
	s13 =	sadd.s32 $0x51600, s8;
	s8 =	simm.s32 $0x2  }
0xb: {  	s4 =	sadd.s32 $0x5B600, s7;
	s5 =	sadd.s32 $0x3400, s6;
	s6 =	sadd.s32 s10, s2  }
0xc: {  	s7 =	smax.u32 s9, $0x1;
	s9 =	simm.s32 $0x1400;
	s10 =	simm.s32 $0x14C80  }
0xd: {  	v0 =	vimm.f32 $0.0e+00;
	s13 =	sadd.s32 s14, s13;
	s14 =	sor.u32 $0x1C02, s31;
	s15 =	sshrl.u32 s6, $0x3  }
.LBB2_1:
0xe: {  	[tilespmem:s3], [sflag:$0x2] =	stream.linear.gather [hbm4b:s4+s3], $0x1400, $0x38;
	[tilespmem:$0x19C80] =	vst v63  }
0xf: {  	_ =	swait.ge [sflag:s8], $0x1400  }
0x10: {  	[sflag:s8] =	ssyncset.done $0x0  }
0x11: {  	[sflag:s8] =	ssyncadd.s32 $0xFFFFEC00  }
0x12: {  	[tilespmem:s9], [sflag:$0x2] =	stream.linear.gather [hbm4b:s5+s3], $0x13880, $0x38;
	[tilespmem:$0x19C80] =	vst v63  }
0x13: {  	_ =	swait.ge [sflag:s8], $0x13880  }
0x14: {  	[sflag:s8] =	ssyncset.done $0x0  }
0x15: {  	s17 =	simm.s32 $0x40;
	s18 =	simm.s32 $0x0;
	[sflag:s8] =	ssyncadd.s32 $0xFFFEC780  }
.LBB2_2:
0x16: {  	p0 =	sne.s32 s17, $0x9FC0;
	[tilespmem:s18+$0x14C80] =	vst v0;
	s18 =	smov.u32 s17;
	s17 =	sadd.s32 $0x40, s17  }
.Ltmp0:
0x17: {  	(pc) =	sbr.rel @p0 .LBB2_2-.Ltmp0, $2  }
0x18: {  	_ =	sdelay $0x2  }
0x19: {  	s18 =	sshra.s32 s18, $0x2  }
0x1a: {  	[tilespmem:s18+$0x14C80] =	vst v0  }
0x1b: {  	[spmem:s6] =	stream.linear.scatter [tilespmem:s10], [sflag:$0x2], $0x2800, $0x38;
	[tilespmem:$0x19C80] =	vst v63  }
0x1c: {  	_ =	swait.ge [sflag:s8], $0x2800  }
0x1d: {  	[sflag:s8] =	ssyncset.done $0x0  }
0x1e: {  	[sflag:s8] =	ssyncadd.s32 $0xFFFFD800  }
0x1f: {  	s17 =	simm.s32 $0x0;
	s18 =	simm.s32 $0x1400;
	[bflag:$0x0] =	sbarrier.arrive $0xFFFF  }
.LBB2_4:
0x20: {  	p0 =	sne.s32 s17, $0x4E00  }
.Ltmp1:
0x21: {  	_ = 	snop;
	(pc) =	sbr.rel @p0 .LBB2_4-.Ltmp1, $4  }
0x22: {  	_ = 	snop  }
0x23: {  	s19 =	sshra.s32 s17, $0x2  }
0x24: {  	[spmem:s2] =	stream.indirect.scatter.add.f32 [tilespmem:s18], [sflag:$0x1], $0x10, s19, s11, $0xb8;
	[tilespmem:$0x19C80] =	vst v63  }
0x25: {  	s17 =	sadd.s32 $0x200, s17;
	s18 =	sadd.s32 $0x7D0, s18  }
0x26: {  	_ =	swait.ge [sflag:s12], $0x7D0  }
0x27: {  	s17 =	simm.s32 $0x27;
	[sflag:s12] =	ssyncset.done $0x0  }
.LBB2_6:
0x28: {  	p0 =	sne.s32 s17, $0x1;
	s17 =	sadd.s32 $0xFFFFFFFF, s17;
	[sflag:s12] =	ssyncadd.s32 $0xFFFFF830  }
.Ltmp2:
0x29: {  	(pc) =	sbr.rel @p0 .LBB2_6-.Ltmp2, $3  }
0x2a: {  	_ =	sdelay $0x1  }
0x2b: {  	_ =	swait.ge [sflag:s12], $0x7D0  }
0x2c: {  	[sflag:s12] =	ssyncset.done $0x0  }
0x2d: {  	s16 =	sadd.s32 $0x1, s16  }
0x2e: {  	[sflag:s12] =	ssyncadd.s32 $0xFFFFF830;
	p0 =	sne.s32 s16, s7  }
.Ltmp3:
0x2f: {  	[bflag:$0x0] =	sbarrier.arrive $0xFFFF;
	(pc) =	sbr.rel @p0 .LBB2_1-.Ltmp3, $4  }
0x30: {  	[hbm:s13], [sflag:s14] =	dma.local [spmem:s15], $0x500  }
0x31: {  	_ =	swait.ge [sflag:s8], $0x500  }
0x32: {  	[sflag:s8] =	ssyncset.done $0x0  }
0x33: {  	[sflag:s8] =	ssyncadd.s32 $0xFFFFFB00  }
0x34: {  	_ =	sfence.sel $0x180000  }
0x35: {  	[bflag:$0x0] =	sbarrier.arrive $0xFFFF  }
0x36: {  	p0 =	sne.s32 s0, $0x0;
	_ =	strace $0x90000053  }
0x37: {  	s0 =	sadd.s32 @!p0 $0x100000, s1;
	[bflag:$0x2] =	sbarrier.arrive $0xFFFF  }
0x38: {  	[sflag:s0] =	ssyncadd.tile.s32 @!p0 $0x1;
	_ =	shalt  }
.Lfunc_end2:
_tile_overlayer_lowered:
.L_overlay_start_2:
0x39: {  	(tag) =	ssettag $0x2  }
0x3a: {  	s0 =	rddreg [dreg:$0x0];
	s2 =	stileid.u32  }
0x3b: {  	s1 =	rddreg [dreg:$0x1];
	p0 =	sne.s32 s2, $0x0  }
0x3c: {  	s3 =	rddreg [dreg:$0x2];
	[bflag:$0x3] =	sbarrier.arrive $0xFFFF;
	s2 =	simm.s32 @!p0 $0x1C02  }
0x3d: {  	[timem:s3], [sflag:s2] =	dma.local @!p0 [hbm:s0], s1  }
0x3e: {  	s0 =	simm.s32 @!p0 $0x2  }
0x3f: {  	_ =	swait.ge @!p0 [sflag:s0], s1  }
0x40: {  	s1 =	ssub.s32 @!p0 $0x0, s1;
	[sflag:s0] =	ssyncset.done @!p0 $0x0  }
0x41: {  	[sflag:s0] =	ssyncadd.s32 @!p0 s1  }
0x42: {  	[bflag:$0x3] =	sbarrier.arrive $0xFFFF  }
0x43: {  	_ =	shalt  }

</sc_bundles>
